<compile_context>
chip_gen: v7x
topology: tpu7x:2x2x1
jax: 0.10.2.dev20260603
libtpu: 0.0.44.dev20260713+nightly
codegen_flags: <defaults>
</compile_context>

<pallas_src>
import functools

import jax
import jax.numpy as jnp
from jax import lax
from jax.experimental import pallas as pl
from jax.experimental.pallas import tpu as pltpu
from jax.experimental.pallas import tpu_sc as plsc

POSITION_SIZE = 8192
EMBEDDING_SIZE = 128
BATCH = 4
SEQ_LEN = 8192

NUM_CORES = 2
NUM_SUBCORES = 16
NUM_WORKERS = NUM_CORES * NUM_SUBCORES
WORKERS_PER_BATCH = NUM_WORKERS // BATCH
IDS_PER_WORKER = SEQ_LEN // WORKERS_PER_BATCH
CHUNK = 128
CHUNKS_PER_WORKER = IDS_PER_WORKER // CHUNK
NBUF = 7

_MESH = plsc.VectorSubcoreMesh(core_axis_name="c", subcore_axis_name="s")


@functools.partial(
    pl.kernel,
    mesh=_MESH,
    out_type=jax.ShapeDtypeStruct((BATCH, SEQ_LEN, EMBEDDING_SIZE), jnp.float32),
    scratch_types=[
        pltpu.VMEM((IDS_PER_WORKER,), jnp.int32),
        pltpu.VMEM((NBUF, CHUNK, EMBEDDING_SIZE), jnp.float32),
        pltpu.SemaphoreType.DMA,
        pltpu.SemaphoreType.DMA,
    ],
)
def _gather_kernel(idx_hbm, table_hbm, out_hbm, idx_v, rows_v, gsem, osem):
    wid = lax.axis_index("s") * NUM_CORES + lax.axis_index("c")
    b = wid // WORKERS_PER_BATCH
    s0 = (wid % WORKERS_PER_BATCH) * IDS_PER_WORKER

    pltpu.sync_copy(idx_hbm.at[b, pl.ds(s0, CHUNK)], idx_v.at[pl.ds(0, CHUNK)])

    gathers = [None] * CHUNKS_PER_WORKER
    outs = [None] * CHUNKS_PER_WORKER
    gathers[0] = pltpu.async_copy(
        table_hbm.at[idx_v.at[pl.ds(0, CHUNK)]], rows_v.at[0], gsem)
    pltpu.sync_copy(idx_hbm.at[b, pl.ds(s0 + CHUNK, IDS_PER_WORKER - CHUNK)],
                    idx_v.at[pl.ds(CHUNK, IDS_PER_WORKER - CHUNK)])
    for c in range(1, min(NBUF, CHUNKS_PER_WORKER)):
        gathers[c] = pltpu.async_copy(
            table_hbm.at[idx_v.at[pl.ds(c * CHUNK, CHUNK)]],
            rows_v.at[c % NBUF], gsem)
    for c in range(CHUNKS_PER_WORKER):
        gathers[c].wait()
        outs[c] = pltpu.async_copy(
            rows_v.at[c % NBUF],
            out_hbm.at[b, pl.ds(s0 + c * CHUNK, CHUNK)],
            osem)
        nxt = c + NBUF
        if nxt < CHUNKS_PER_WORKER:
            outs[c].wait()
            gathers[nxt] = pltpu.async_copy(
                table_hbm.at[idx_v.at[pl.ds(nxt * CHUNK, CHUNK)]],
                rows_v.at[nxt % NBUF], gsem)
    for c in range(max(0, CHUNKS_PER_WORKER - NBUF), CHUNKS_PER_WORKER):
        outs[c].wait()


def kernel(input_ids, embedding_table):
    out = _gather_kernel(input_ids, embedding_table)
    return out, embedding_table

# --- scband reference (transcript-rebuilt; emitter-appended) ---
"""Pipeline reference for scband-position-embedding-layer-15066745274774 (READ-ONLY COPY).

The authoritative reference and input builder live on the scoring server;
editing this copy changes nothing except your own understanding.
"""

import jax, jax.numpy as jnp
import numpy as np

POSITION_SIZE = 8192
EMBEDDING_SIZE = 128
BATCH = 4
SEQ_LEN = 8192


def setup_inputs(seed: int = 0) -> dict:
    key = jax.random.key(seed)
    k_ids, k_tab = jax.random.split(key)
    input_ids = jax.random.randint(k_ids, (BATCH, SEQ_LEN), 0, POSITION_SIZE, dtype=jnp.int32)
    # learned parameter: truncated-normal-initialized position embedding table
    embedding_table = (jax.random.truncated_normal(k_tab, -2.0, 2.0, (POSITION_SIZE, EMBEDDING_SIZE), dtype=jnp.float32) * 0.02)
    return {"input_ids": input_ids, "embedding_table": embedding_table}


def reference(input_ids, embedding_table):
    # Faithful translation of PositionEmbeddingLayer.call with use_one_hot_embeddings=False
    if input_ids.ndim == 2:
        input_ids = jnp.expand_dims(input_ids, axis=-1)  # [B, S, 1]
    input_shape = input_ids.shape
    flat_input_ids = jnp.reshape(input_ids, (-1,))  # [B*S]
    output = jnp.take(embedding_table, flat_input_ids, axis=0)  # [B*S, E]
    out_shape = tuple(input_shape[:-1]) + (input_shape[-1] * EMBEDDING_SIZE,)
    output = jnp.reshape(output, out_shape)  # [B, S, E]
    return (output, embedding_table)

if __name__ == "__main__":
    import jax
    _d = setup_inputs()
    print(jax.jit(kernel)(*tuple(_d.values())))

</pallas_src>

<mosaic_0001>
#map = affine_map<(d0, d1) -> (0, 0)>
#map1 = affine_map<(d0, d1) -> (0, 0, 0)>
module attributes {stable_mosaic.version = 14 : i64} {
  func.func @_gather_kernel(%arg0: i32, %arg1: i32, %arg2: memref<4x8192xi32, #tpu.memory_space<hbm>>, %arg3: memref<8192x128xf32, #tpu.memory_space<hbm>>, %arg4: memref<4x8192x128xf32, #tpu.memory_space<hbm>>, %arg5: memref<1024xi32, #tpu.memory_space<vmem>>, %arg6: memref<7x128x128xf32, #tpu.memory_space<vmem>>, %arg7: memref<!tpu.dma_semaphore, #tpu.memory_space<semaphore_mem>>, %arg8: memref<!tpu.dma_semaphore, #tpu.memory_space<semaphore_mem>>) attributes {dimension_semantics = [#tpu.dimension_semantics<core_parallel>, #tpu.dimension_semantics<subcore_parallel>], iteration_bounds = array<i64: 2, 16>, scalar_prefetch = 0 : i64, scratch_operands = 4 : i64, tpu.core_type = #tpu.core_type<sc_vector_subcore>, window_params = [{transform_indices = #map}, {transform_indices = #map}, {transform_indices = #map1}]} {
    %mul3A = arith.constant 2 : i32
    %mul3A_0 = arith.muli %arg1, %mul3A : i32
    %add3A = arith.addi %mul3A_0, %arg0 : i32
    %jit3A = arith.constant 8 : i32
    %div3A = arith.divsi %add3A, %jit3A : i32
    %sign3A = arith.constant 0 : i32
    %sign3A_1 = arith.cmpi sgt, %add3A, %sign3A : i32
    %sign3A_2 = arith.extui %sign3A_1 : i1 to i32
    %sign3A_3 = arith.constant 0 : i32
    %sign3A_4 = arith.cmpi slt, %add3A, %sign3A_3 : i32
    %sign3A_5 = arith.extui %sign3A_4 : i1 to i32
    %sign3A_6 = arith.subi %sign3A_2, %sign3A_5 : i32
    %sign3A_7 = arith.constant 0 : i32
    %sign3A_8 = arith.cmpi sgt, %jit3A, %sign3A_7 : i32
    %sign3A_9 = arith.extui %sign3A_8 : i1 to i32
    %sign3A_10 = arith.constant 0 : i32
    %sign3A_11 = arith.cmpi slt, %jit3A, %sign3A_10 : i32
    %sign3A_12 = arith.extui %sign3A_11 : i1 to i32
    %sign3A_13 = arith.subi %sign3A_9, %sign3A_12 : i32
    %ne3A = arith.cmpi ne, %sign3A_6, %sign3A_13 : i32
    %rem3A = arith.remsi %add3A, %jit3A : i32
    %ne3A_14 = arith.constant 0 : i32
    %ne3A_15 = arith.cmpi ne, %rem3A, %ne3A_14 : i32
    %and3A = arith.andi %ne3A, %ne3A_15 : i1
    %sub3A = arith.constant 1 : i32
    %sub3A_16 = arith.subi %div3A, %sub3A : i32
    %select_n3A = arith.select %and3A, %sub3A_16, %div3A : i32
    %jit3A_17 = arith.constant 8 : i32
    %eq3A = arith.constant 0 : i32
    %eq3A_18 = arith.cmpi eq, %jit3A_17, %eq3A : i32
    %jit3A_19 = arith.constant 1 : i32
    %select_n3A_20 = arith.select %eq3A_18, %jit3A_19, %jit3A_17 : i32
    %rem3A_21 = arith.remsi %add3A, %select_n3A_20 : i32
    %ne3A_22 = arith.constant 0 : i32
    %ne3A_23 = arith.cmpi ne, %rem3A_21, %ne3A_22 : i32
    %lt3A = arith.constant 0 : i32
    %lt3A_24 = arith.cmpi slt, %rem3A_21, %lt3A : i32
    %lt3A_25 = arith.constant 0 : i32
    %lt3A_26 = arith.cmpi slt, %select_n3A_20, %lt3A_25 : i32
    %ne3A_27 = arith.xori %lt3A_24, %lt3A_26 : i1
    %and3A_28 = arith.andi %ne3A_27, %ne3A_23 : i1
    %add3A_29 = arith.addi %rem3A_21, %select_n3A_20 : i32
    %select_n3A_30 = arith.select %and3A_28, %add3A_29, %rem3A_21 : i32
    %mul3A_31 = arith.constant 1024 : i32
    %mul3A_32 = arith.muli %select_n3A_30, %mul3A_31 : i32
    "tpu.region"() ({
      %run_scoped3A = tpu.sem_alloc : memref<!tpu.dma_semaphore, #tpu.memory_space<semaphore_mem>>
      %dma_start3A_449 = arith.constant 0 : i32
      %dma_start3A_450 = tpu.memref_slice %arg5[%dma_start3A_449] : memref<1024xi32, #tpu.memory_space<vmem>> -> memref<128xi32, #tpu.memory_space<vmem>>
      %dma_start3A_451 = tpu.memref_slice %arg2[%select_n3A, %mul3A_32] : memref<4x8192xi32, #tpu.memory_space<hbm>> -> memref<1x128xi32, #tpu.memory_space<hbm>>
      %dma_start3A_452 = tpu.memref_squeeze %dma_start3A_451 : memref<1x128xi32, #tpu.memory_space<hbm>> -> memref<128xi32, #tpu.memory_space<hbm>>
      %dma_start3A_453 = arith.constant 0 : i32
      %dma_start3A_454 = tpu.memref_slice %arg5[%dma_start3A_453] : memref<1024xi32, #tpu.memory_space<vmem>> -> memref<128xi32, #tpu.memory_space<vmem>>
      %dma_start3A_455 = tpu.memref_slice %arg2[%select_n3A, %mul3A_32] : memref<4x8192xi32, #tpu.memory_space<hbm>> -> memref<1x128xi32, #tpu.memory_space<hbm>>
      %dma_start3A_456 = tpu.memref_squeeze %dma_start3A_455 : memref<1x128xi32, #tpu.memory_space<hbm>> -> memref<128xi32, #tpu.memory_space<hbm>>
      tpu.enqueue_dma source(%dma_start3A_456 : memref<128xi32, #tpu.memory_space<hbm>>) target(%dma_start3A_454 : memref<128xi32, #tpu.memory_space<vmem>>) target_semaphore(%run_scoped3A : memref<!tpu.dma_semaphore, #tpu.memory_space<semaphore_mem>>)
      %dma_wait3A_457 = arith.constant 0 : i32
      %dma_wait3A_458 = tpu.memref_slice %arg5[%dma_wait3A_457] : memref<1024xi32, #tpu.memory_space<vmem>> -> memref<128xi32, #tpu.memory_space<vmem>>
      %dma_wait3A_459 = tpu.memref_slice %arg2[%select_n3A, %mul3A_32] : memref<4x8192xi32, #tpu.memory_space<hbm>> -> memref<1x128xi32, #tpu.memory_space<hbm>>
      %dma_wait3A_460 = tpu.memref_squeeze %dma_wait3A_459 : memref<1x128xi32, #tpu.memory_space<hbm>> -> memref<128xi32, #tpu.memory_space<hbm>>
      %dma_wait3A_461 = arith.constant 0 : i32
      %dma_wait3A_462 = tpu.memref_slice %arg5[%dma_wait3A_461] : memref<1024xi32, #tpu.memory_space<vmem>> -> memref<128xi32, #tpu.memory_space<vmem>>
      %dma_wait3A_463 = tpu.memref_slice %arg2[%select_n3A, %mul3A_32] : memref<4x8192xi32, #tpu.memory_space<hbm>> -> memref<1x128xi32, #tpu.memory_space<hbm>>
      %dma_wait3A_464 = tpu.memref_squeeze %dma_wait3A_463 : memref<1x128xi32, #tpu.memory_space<hbm>> -> memref<128xi32, #tpu.memory_space<hbm>>
      tpu.wait_dma2 semaphore(%run_scoped3A : memref<!tpu.dma_semaphore, #tpu.memory_space<semaphore_mem>>) src(%dma_wait3A_464 : memref<128xi32, #tpu.memory_space<hbm>>) dst(%dma_wait3A_462 : memref<128xi32, #tpu.memory_space<vmem>>)
      tpu.yield
    }) : () -> ()
    %dma_start3A = arith.constant 0 : i32
    %dma_start3A_33 = arith.constant 0 : i32
    %dma_start3A_34 = arith.constant 0 : i32
    %dma_start3A_35 = tpu.memref_slice %arg6[%dma_start3A, %dma_start3A_33, %dma_start3A_34] : memref<7x128x128xf32, #tpu.memory_space<vmem>> -> memref<1x128x128xf32, #tpu.memory_space<vmem>>
    %dma_start3A_36 = tpu.memref_squeeze %dma_start3A_35 : memref<1x128x128xf32, #tpu.memory_space<vmem>> -> memref<128x128xf32, #tpu.memory_space<vmem>>
    %dma_start3A_37 = arith.constant 0 : i32
    %dma_start3A_38 = tpu.memref_slice %arg5[%dma_start3A_37] : memref<1024xi32, #tpu.memory_space<vmem>> -> memref<128xi32, #tpu.memory_space<vmem>>
    %dma_start3A_39 = arith.constant 0 : i32
    %dma_start3A_40 = arith.constant 0 : i32
    %dma_start3A_41 = tpu.memref_slice %arg3[%dma_start3A_39, %dma_start3A_40] : memref<8192x128xf32, #tpu.memory_space<hbm>> -> memref<8192x128xf32, #tpu.memory_space<hbm>>
    tpu.enqueue_indirect_dma source(%dma_start3A_41 : memref<8192x128xf32, #tpu.memory_space<hbm>>) target(%dma_start3A_36 : memref<128x128xf32, #tpu.memory_space<vmem>>) offsets(%dma_start3A_38 : memref<128xi32, #tpu.memory_space<vmem>>) semaphore(%arg7 : memref<!tpu.dma_semaphore, #tpu.memory_space<semaphore_mem>>)
    %add3A_42 = arith.constant 128 : i32
    %add3A_43 = arith.addi %mul3A_32, %add3A_42 : i32
    "tpu.region"() ({
      %run_scoped3A = tpu.sem_alloc : memref<!tpu.dma_semaphore, #tpu.memory_space<semaphore_mem>>
      %dma_start3A_449 = arith.constant 128 : i32
      %dma_start3A_450 = tpu.memref_slice %arg5[%dma_start3A_449] : memref<1024xi32, #tpu.memory_space<vmem>> -> memref<896xi32, #tpu.memory_space<vmem>>
      %dma_start3A_451 = tpu.memref_slice %arg2[%select_n3A, %add3A_43] : memref<4x8192xi32, #tpu.memory_space<hbm>> -> memref<1x896xi32, #tpu.memory_space<hbm>>
      %dma_start3A_452 = tpu.memref_squeeze %dma_start3A_451 : memref<1x896xi32, #tpu.memory_space<hbm>> -> memref<896xi32, #tpu.memory_space<hbm>>
      %dma_start3A_453 = arith.constant 128 : i32
      %dma_start3A_454 = tpu.memref_slice %arg5[%dma_start3A_453] : memref<1024xi32, #tpu.memory_space<vmem>> -> memref<896xi32, #tpu.memory_space<vmem>>
      %dma_start3A_455 = tpu.memref_slice %arg2[%select_n3A, %add3A_43] : memref<4x8192xi32, #tpu.memory_space<hbm>> -> memref<1x896xi32, #tpu.memory_space<hbm>>
      %dma_start3A_456 = tpu.memref_squeeze %dma_start3A_455 : memref<1x896xi32, #tpu.memory_space<hbm>> -> memref<896xi32, #tpu.memory_space<hbm>>
      tpu.enqueue_dma source(%dma_start3A_456 : memref<896xi32, #tpu.memory_space<hbm>>) target(%dma_start3A_454 : memref<896xi32, #tpu.memory_space<vmem>>) target_semaphore(%run_scoped3A : memref<!tpu.dma_semaphore, #tpu.memory_space<semaphore_mem>>)
      %dma_wait3A_457 = arith.constant 128 : i32
      %dma_wait3A_458 = tpu.memref_slice %arg5[%dma_wait3A_457] : memref<1024xi32, #tpu.memory_space<vmem>> -> memref<896xi32, #tpu.memory_space<vmem>>
      %dma_wait3A_459 = tpu.memref_slice %arg2[%select_n3A, %add3A_43] : memref<4x8192xi32, #tpu.memory_space<hbm>> -> memref<1x896xi32, #tpu.memory_space<hbm>>
      %dma_wait3A_460 = tpu.memref_squeeze %dma_wait3A_459 : memref<1x896xi32, #tpu.memory_space<hbm>> -> memref<896xi32, #tpu.memory_space<hbm>>
      %dma_wait3A_461 = arith.constant 128 : i32
      %dma_wait3A_462 = tpu.memref_slice %arg5[%dma_wait3A_461] : memref<1024xi32, #tpu.memory_space<vmem>> -> memref<896xi32, #tpu.memory_space<vmem>>
      %dma_wait3A_463 = tpu.memref_slice %arg2[%select_n3A, %add3A_43] : memref<4x8192xi32, #tpu.memory_space<hbm>> -> memref<1x896xi32, #tpu.memory_space<hbm>>
      %dma_wait3A_464 = tpu.memref_squeeze %dma_wait3A_463 : memref<1x896xi32, #tpu.memory_space<hbm>> -> memref<896xi32, #tpu.memory_space<hbm>>
      tpu.wait_dma2 semaphore(%run_scoped3A : memref<!tpu.dma_semaphore, #tpu.memory_space<semaphore_mem>>) src(%dma_wait3A_464 : memref<896xi32, #tpu.memory_space<hbm>>) dst(%dma_wait3A_462 : memref<896xi32, #tpu.memory_space<vmem>>)
      tpu.yield
    }) : () -> ()
    %dma_start3A_44 = arith.constant 1 : i32
    %dma_start3A_45 = arith.constant 0 : i32
    %dma_start3A_46 = arith.constant 0 : i32
    %dma_start3A_47 = tpu.memref_slice %arg6[%dma_start3A_44, %dma_start3A_45, %dma_start3A_46] : memref<7x128x128xf32, #tpu.memory_space<vmem>> -> memref<1x128x128xf32, #tpu.memory_space<vmem>>
    %dma_start3A_48 = tpu.memref_squeeze %dma_start3A_47 : memref<1x128x128xf32, #tpu.memory_space<vmem>> -> memref<128x128xf32, #tpu.memory_space<vmem>>
    %dma_start3A_49 = arith.constant 128 : i32
    %dma_start3A_50 = tpu.memref_slice %arg5[%dma_start3A_49] : memref<1024xi32, #tpu.memory_space<vmem>> -> memref<128xi32, #tpu.memory_space<vmem>>
    %dma_start3A_51 = arith.constant 0 : i32
    %dma_start3A_52 = arith.constant 0 : i32
    %dma_start3A_53 = tpu.memref_slice %arg3[%dma_start3A_51, %dma_start3A_52] : memref<8192x128xf32, #tpu.memory_space<hbm>> -> memref<8192x128xf32, #tpu.memory_space<hbm>>
    tpu.enqueue_indirect_dma source(%dma_start3A_53 : memref<8192x128xf32, #tpu.memory_space<hbm>>) target(%dma_start3A_48 : memref<128x128xf32, #tpu.memory_space<vmem>>) offsets(%dma_start3A_50 : memref<128xi32, #tpu.memory_space<vmem>>) semaphore(%arg7 : memref<!tpu.dma_semaphore, #tpu.memory_space<semaphore_mem>>)
    %dma_start3A_54 = arith.constant 2 : i32
    %dma_start3A_55 = arith.constant 0 : i32
    %dma_start3A_56 = arith.constant 0 : i32
    %dma_start3A_57 = tpu.memref_slice %arg6[%dma_start3A_54, %dma_start3A_55, %dma_start3A_56] : memref<7x128x128xf32, #tpu.memory_space<vmem>> -> memref<1x128x128xf32, #tpu.memory_space<vmem>>
    %dma_start3A_58 = tpu.memref_squeeze %dma_start3A_57 : memref<1x128x128xf32, #tpu.memory_space<vmem>> -> memref<128x128xf32, #tpu.memory_space<vmem>>
    %dma_start3A_59 = arith.constant 256 : i32
    %dma_start3A_60 = tpu.memref_slice %arg5[%dma_start3A_59] : memref<1024xi32, #tpu.memory_space<vmem>> -> memref<128xi32, #tpu.memory_space<vmem>>
    %dma_start3A_61 = arith.constant 0 : i32
    %dma_start3A_62 = arith.constant 0 : i32
    %dma_start3A_63 = tpu.memref_slice %arg3[%dma_start3A_61, %dma_start3A_62] : memref<8192x128xf32, #tpu.memory_space<hbm>> -> memref<8192x128xf32, #tpu.memory_space<hbm>>
    tpu.enqueue_indirect_dma source(%dma_start3A_63 : memref<8192x128xf32, #tpu.memory_space<hbm>>) target(%dma_start3A_58 : memref<128x128xf32, #tpu.memory_space<vmem>>) offsets(%dma_start3A_60 : memref<128xi32, #tpu.memory_space<vmem>>) semaphore(%arg7 : memref<!tpu.dma_semaphore, #tpu.memory_space<semaphore_mem>>)
    %dma_start3A_64 = arith.constant 3 : i32
    %dma_start3A_65 = arith.constant 0 : i32
    %dma_start3A_66 = arith.constant 0 : i32
    %dma_start3A_67 = tpu.memref_slice %arg6[%dma_start3A_64, %dma_start3A_65, %dma_start3A_66] : memref<7x128x128xf32, #tpu.memory_space<vmem>> -> memref<1x128x128xf32, #tpu.memory_space<vmem>>
    %dma_start3A_68 = tpu.memref_squeeze %dma_start3A_67 : memref<1x128x128xf32, #tpu.memory_space<vmem>> -> memref<128x128xf32, #tpu.memory_space<vmem>>
    %dma_start3A_69 = arith.constant 384 : i32
    %dma_start3A_70 = tpu.memref_slice %arg5[%dma_start3A_69] : memref<1024xi32, #tpu.memory_space<vmem>> -> memref<128xi32, #tpu.memory_space<vmem>>
    %dma_start3A_71 = arith.constant 0 : i32
    %dma_start3A_72 = arith.constant 0 : i32
    %dma_start3A_73 = tpu.memref_slice %arg3[%dma_start3A_71, %dma_start3A_72] : memref<8192x128xf32, #tpu.memory_space<hbm>> -> memref<8192x128xf32, #tpu.memory_space<hbm>>
    tpu.enqueue_indirect_dma source(%dma_start3A_73 : memref<8192x128xf32, #tpu.memory_space<hbm>>) target(%dma_start3A_68 : memref<128x128xf32, #tpu.memory_space<vmem>>) offsets(%dma_start3A_70 : memref<128xi32, #tpu.memory_space<vmem>>) semaphore(%arg7 : memref<!tpu.dma_semaphore, #tpu.memory_space<semaphore_mem>>)
    %dma_start3A_74 = arith.constant 4 : i32
    %dma_start3A_75 = arith.constant 0 : i32
    %dma_start3A_76 = arith.constant 0 : i32
    %dma_start3A_77 = tpu.memref_slice %arg6[%dma_start3A_74, %dma_start3A_75, %dma_start3A_76] : memref<7x128x128xf32, #tpu.memory_space<vmem>> -> memref<1x128x128xf32, #tpu.memory_space<vmem>>
    %dma_start3A_78 = tpu.memref_squeeze %dma_start3A_77 : memref<1x128x128xf32, #tpu.memory_space<vmem>> -> memref<128x128xf32, #tpu.memory_space<vmem>>
    %dma_start3A_79 = arith.constant 512 : i32
    %dma_start3A_80 = tpu.memref_slice %arg5[%dma_start3A_79] : memref<1024xi32, #tpu.memory_space<vmem>> -> memref<128xi32, #tpu.memory_space<vmem>>
    %dma_start3A_81 = arith.constant 0 : i32
    %dma_start3A_82 = arith.constant 0 : i32
    %dma_start3A_83 = tpu.memref_slice %arg3[%dma_start3A_81, %dma_start3A_82] : memref<8192x128xf32, #tpu.memory_space<hbm>> -> memref<8192x128xf32, #tpu.memory_space<hbm>>
    tpu.enqueue_indirect_dma source(%dma_start3A_83 : memref<8192x128xf32, #tpu.memory_space<hbm>>) target(%dma_start3A_78 : memref<128x128xf32, #tpu.memory_space<vmem>>) offsets(%dma_start3A_80 : memref<128xi32, #tpu.memory_space<vmem>>) semaphore(%arg7 : memref<!tpu.dma_semaphore, #tpu.memory_space<semaphore_mem>>)
    %dma_start3A_84 = arith.constant 5 : i32
    %dma_start3A_85 = arith.constant 0 : i32
    %dma_start3A_86 = arith.constant 0 : i32
    %dma_start3A_87 = tpu.memref_slice %arg6[%dma_start3A_84, %dma_start3A_85, %dma_start3A_86] : memref<7x128x128xf32, #tpu.memory_space<vmem>> -> memref<1x128x128xf32, #tpu.memory_space<vmem>>
    %dma_start3A_88 = tpu.memref_squeeze %dma_start3A_87 : memref<1x128x128xf32, #tpu.memory_space<vmem>> -> memref<128x128xf32, #tpu.memory_space<vmem>>
    %dma_start3A_89 = arith.constant 640 : i32
    %dma_start3A_90 = tpu.memref_slice %arg5[%dma_start3A_89] : memref<1024xi32, #tpu.memory_space<vmem>> -> memref<128xi32, #tpu.memory_space<vmem>>
    %dma_start3A_91 = arith.constant 0 : i32
    %dma_start3A_92 = arith.constant 0 : i32
    %dma_start3A_93 = tpu.memref_slice %arg3[%dma_start3A_91, %dma_start3A_92] : memref<8192x128xf32, #tpu.memory_space<hbm>> -> memref<8192x128xf32, #tpu.memory_space<hbm>>
    tpu.enqueue_indirect_dma source(%dma_start3A_93 : memref<8192x128xf32, #tpu.memory_space<hbm>>) target(%dma_start3A_88 : memref<128x128xf32, #tpu.memory_space<vmem>>) offsets(%dma_start3A_90 : memref<128xi32, #tpu.memory_space<vmem>>) semaphore(%arg7 : memref<!tpu.dma_semaphore, #tpu.memory_space<semaphore_mem>>)
    %dma_start3A_94 = arith.constant 6 : i32
    %dma_start3A_95 = arith.constant 0 : i32
    %dma_start3A_96 = arith.constant 0 : i32
    %dma_start3A_97 = tpu.memref_slice %arg6[%dma_start3A_94, %dma_start3A_95, %dma_start3A_96] : memref<7x128x128xf32, #tpu.memory_space<vmem>> -> memref<1x128x128xf32, #tpu.memory_space<vmem>>
    %dma_start3A_98 = tpu.memref_squeeze %dma_start3A_97 : memref<1x128x128xf32, #tpu.memory_space<vmem>> -> memref<128x128xf32, #tpu.memory_space<vmem>>
    %dma_start3A_99 = arith.constant 768 : i32
    %dma_start3A_100 = tpu.memref_slice %arg5[%dma_start3A_99] : memref<1024xi32, #tpu.memory_space<vmem>> -> memref<128xi32, #tpu.memory_space<vmem>>
    %dma_start3A_101 = arith.constant 0 : i32
    %dma_start3A_102 = arith.constant 0 : i32
    %dma_start3A_103 = tpu.memref_slice %arg3[%dma_start3A_101, %dma_start3A_102] : memref<8192x128xf32, #tpu.memory_space<hbm>> -> memref<8192x128xf32, #tpu.memory_space<hbm>>
    tpu.enqueue_indirect_dma source(%dma_start3A_103 : memref<8192x128xf32, #tpu.memory_space<hbm>>) target(%dma_start3A_98 : memref<128x128xf32, #tpu.memory_space<vmem>>) offsets(%dma_start3A_100 : memref<128xi32, #tpu.memory_space<vmem>>) semaphore(%arg7 : memref<!tpu.dma_semaphore, #tpu.memory_space<semaphore_mem>>)
    %dma_wait3A = arith.constant 0 : i32
    %dma_wait3A_104 = arith.constant 0 : i32
    %dma_wait3A_105 = arith.constant 0 : i32
    %dma_wait3A_106 = tpu.memref_slice %arg6[%dma_wait3A, %dma_wait3A_104, %dma_wait3A_105] : memref<7x128x128xf32, #tpu.memory_space<vmem>> -> memref<1x128x128xf32, #tpu.memory_space<vmem>>
    %dma_wait3A_107 = tpu.memref_squeeze %dma_wait3A_106 : memref<1x128x128xf32, #tpu.memory_space<vmem>> -> memref<128x128xf32, #tpu.memory_space<vmem>>
    %dma_wait3A_108 = arith.constant 0 : i32
    %dma_wait3A_109 = tpu.memref_slice %arg5[%dma_wait3A_108] : memref<1024xi32, #tpu.memory_space<vmem>> -> memref<128xi32, #tpu.memory_space<vmem>>
    %dma_wait3A_110 = arith.constant 0 : i32
    %dma_wait3A_111 = arith.constant 0 : i32
    %dma_wait3A_112 = tpu.memref_slice %arg3[%dma_wait3A_110, %dma_wait3A_111] : memref<8192x128xf32, #tpu.memory_space<hbm>> -> memref<8192x128xf32, #tpu.memory_space<hbm>>
    tpu.wait_indirect_dma semaphore(%arg7 : memref<!tpu.dma_semaphore, #tpu.memory_space<semaphore_mem>>) src(%dma_wait3A_112 : memref<8192x128xf32, #tpu.memory_space<hbm>>) dst(%dma_wait3A_107 : memref<128x128xf32, #tpu.memory_space<vmem>>)
    %add3A_113 = arith.constant 0 : i32
    %add3A_114 = arith.addi %mul3A_32, %add3A_113 : i32
    %dma_start3A_115 = arith.constant 0 : i32
    %dma_start3A_116 = arith.constant 0 : i32
    %dma_start3A_117 = arith.constant 0 : i32
    %dma_start3A_118 = tpu.memref_slice %arg6[%dma_start3A_115, %dma_start3A_116, %dma_start3A_117] : memref<7x128x128xf32, #tpu.memory_space<vmem>> -> memref<1x128x128xf32, #tpu.memory_space<vmem>>
    %dma_start3A_119 = tpu.memref_squeeze %dma_start3A_118 : memref<1x128x128xf32, #tpu.memory_space<vmem>> -> memref<128x128xf32, #tpu.memory_space<vmem>>
    %dma_start3A_120 = arith.constant 0 : i32
    %dma_start3A_121 = tpu.memref_slice %arg4[%select_n3A, %add3A_114, %dma_start3A_120] : memref<4x8192x128xf32, #tpu.memory_space<hbm>> -> memref<1x128x128xf32, #tpu.memory_space<hbm>>
    %dma_start3A_122 = tpu.memref_squeeze %dma_start3A_121 : memref<1x128x128xf32, #tpu.memory_space<hbm>> -> memref<128x128xf32, #tpu.memory_space<hbm>>
    %dma_start3A_123 = arith.constant 0 : i32
    %dma_start3A_124 = tpu.memref_slice %arg4[%select_n3A, %add3A_114, %dma_start3A_123] : memref<4x8192x128xf32, #tpu.memory_space<hbm>> -> memref<1x128x128xf32, #tpu.memory_space<hbm>>
    %dma_start3A_125 = tpu.memref_squeeze %dma_start3A_124 : memref<1x128x128xf32, #tpu.memory_space<hbm>> -> memref<128x128xf32, #tpu.memory_space<hbm>>
    %dma_start3A_126 = arith.constant 0 : i32
    %dma_start3A_127 = arith.constant 0 : i32
    %dma_start3A_128 = tpu.memref_slice %arg6[%dma_start3A_115, %dma_start3A_126, %dma_start3A_127] : memref<7x128x128xf32, #tpu.memory_space<vmem>> -> memref<1x128x128xf32, #tpu.memory_space<vmem>>
    %dma_start3A_129 = tpu.memref_squeeze %dma_start3A_128 : memref<1x128x128xf32, #tpu.memory_space<vmem>> -> memref<128x128xf32, #tpu.memory_space<vmem>>
    tpu.enqueue_dma source(%dma_start3A_129 : memref<128x128xf32, #tpu.memory_space<vmem>>) target(%dma_start3A_125 : memref<128x128xf32, #tpu.memory_space<hbm>>) target_semaphore(%arg8 : memref<!tpu.dma_semaphore, #tpu.memory_space<semaphore_mem>>)
    %dma_wait3A_130 = arith.constant 0 : i32
    %dma_wait3A_131 = arith.constant 0 : i32
    %dma_wait3A_132 = arith.constant 0 : i32
    %dma_wait3A_133 = tpu.memref_slice %arg6[%dma_wait3A_130, %dma_wait3A_131, %dma_wait3A_132] : memref<7x128x128xf32, #tpu.memory_space<vmem>> -> memref<1x128x128xf32, #tpu.memory_space<vmem>>
    %dma_wait3A_134 = tpu.memref_squeeze %dma_wait3A_133 : memref<1x128x128xf32, #tpu.memory_space<vmem>> -> memref<128x128xf32, #tpu.memory_space<vmem>>
    %dma_wait3A_135 = arith.constant 0 : i32
    %dma_wait3A_136 = tpu.memref_slice %arg4[%select_n3A, %add3A_114, %dma_wait3A_135] : memref<4x8192x128xf32, #tpu.memory_space<hbm>> -> memref<1x128x128xf32, #tpu.memory_space<hbm>>
    %dma_wait3A_137 = tpu.memref_squeeze %dma_wait3A_136 : memref<1x128x128xf32, #tpu.memory_space<hbm>> -> memref<128x128xf32, #tpu.memory_space<hbm>>
    %dma_wait3A_138 = arith.constant 0 : i32
    %dma_wait3A_139 = tpu.memref_slice %arg4[%select_n3A, %add3A_114, %dma_wait3A_138] : memref<4x8192x128xf32, #tpu.memory_space<hbm>> -> memref<1x128x128xf32, #tpu.memory_space<hbm>>
    %dma_wait3A_140 = tpu.memref_squeeze %dma_wait3A_139 : memref<1x128x128xf32, #tpu.memory_space<hbm>> -> memref<128x128xf32, #tpu.memory_space<hbm>>
    %dma_wait3A_141 = arith.constant 0 : i32
    %dma_wait3A_142 = arith.constant 0 : i32
    %dma_wait3A_143 = tpu.memref_slice %arg6[%dma_wait3A_130, %dma_wait3A_141, %dma_wait3A_142] : memref<7x128x128xf32, #tpu.memory_space<vmem>> -> memref<1x128x128xf32, #tpu.memory_space<vmem>>
    %dma_wait3A_144 = tpu.memref_squeeze %dma_wait3A_143 : memref<1x128x128xf32, #tpu.memory_space<vmem>> -> memref<128x128xf32, #tpu.memory_space<vmem>>
    tpu.wait_dma2 semaphore(%arg8 : memref<!tpu.dma_semaphore, #tpu.memory_space<semaphore_mem>>) src(%dma_wait3A_144 : memref<128x128xf32, #tpu.memory_space<vmem>>) dst(%dma_wait3A_140 : memref<128x128xf32, #tpu.memory_space<hbm>>)
    %dma_start3A_145 = arith.constant 0 : i32
    %dma_start3A_146 = arith.constant 0 : i32
    %dma_start3A_147 = arith.constant 0 : i32
    %dma_start3A_148 = tpu.memref_slice %arg6[%dma_start3A_145, %dma_start3A_146, %dma_start3A_147] : memref<7x128x128xf32, #tpu.memory_space<vmem>> -> memref<1x128x128xf32, #tpu.memory_space<vmem>>
    %dma_start3A_149 = tpu.memref_squeeze %dma_start3A_148 : memref<1x128x128xf32, #tpu.memory_space<vmem>> -> memref<128x128xf32, #tpu.memory_space<vmem>>
    %dma_start3A_150 = arith.constant 896 : i32
    %dma_start3A_151 = tpu.memref_slice %arg5[%dma_start3A_150] : memref<1024xi32, #tpu.memory_space<vmem>> -> memref<128xi32, #tpu.memory_space<vmem>>
    %dma_start3A_152 = arith.constant 0 : i32
    %dma_start3A_153 = arith.constant 0 : i32
    %dma_start3A_154 = tpu.memref_slice %arg3[%dma_start3A_152, %dma_start3A_153] : memref<8192x128xf32, #tpu.memory_space<hbm>> -> memref<8192x128xf32, #tpu.memory_space<hbm>>
    tpu.enqueue_indirect_dma source(%dma_start3A_154 : memref<8192x128xf32, #tpu.memory_space<hbm>>) target(%dma_start3A_149 : memref<128x128xf32, #tpu.memory_space<vmem>>) offsets(%dma_start3A_151 : memref<128xi32, #tpu.memory_space<vmem>>) semaphore(%arg7 : memref<!tpu.dma_semaphore, #tpu.memory_space<semaphore_mem>>)
    %dma_wait3A_155 = arith.constant 1 : i32
    %dma_wait3A_156 = arith.constant 0 : i32
    %dma_wait3A_157 = arith.constant 0 : i32
    %dma_wait3A_158 = tpu.memref_slice %arg6[%dma_wait3A_155, %dma_wait3A_156, %dma_wait3A_157] : memref<7x128x128xf32, #tpu.memory_space<vmem>> -> memref<1x128x128xf32, #tpu.memory_space<vmem>>
    %dma_wait3A_159 = tpu.memref_squeeze %dma_wait3A_158 : memref<1x128x128xf32, #tpu.memory_space<vmem>> -> memref<128x128xf32, #tpu.memory_space<vmem>>
    %dma_wait3A_160 = arith.constant 128 : i32
    %dma_wait3A_161 = tpu.memref_slice %arg5[%dma_wait3A_160] : memref<1024xi32, #tpu.memory_space<vmem>> -> memref<128xi32, #tpu.memory_space<vmem>>
    %dma_wait3A_162 = arith.constant 0 : i32
    %dma_wait3A_163 = arith.constant 0 : i32
    %dma_wait3A_164 = tpu.memref_slice %arg3[%dma_wait3A_162, %dma_wait3A_163] : memref<8192x128xf32, #tpu.memory_space<hbm>> -> memref<8192x128xf32, #tpu.memory_space<hbm>>
    tpu.wait_indirect_dma semaphore(%arg7 : memref<!tpu.dma_semaphore, #tpu.memory_space<semaphore_mem>>) src(%dma_wait3A_164 : memref<8192x128xf32, #tpu.memory_space<hbm>>) dst(%dma_wait3A_159 : memref<128x128xf32, #tpu.memory_space<vmem>>)
    %add3A_165 = arith.constant 128 : i32
    %add3A_166 = arith.addi %mul3A_32, %add3A_165 : i32
    %dma_start3A_167 = arith.constant 1 : i32
    %dma_start3A_168 = arith.constant 0 : i32
    %dma_start3A_169 = arith.constant 0 : i32
    %dma_start3A_170 = tpu.memref_slice %arg6[%dma_start3A_167, %dma_start3A_168, %dma_start3A_169] : memref<7x128x128xf32, #tpu.memory_space<vmem>> -> memref<1x128x128xf32, #tpu.memory_space<vmem>>
    %dma_start3A_171 = tpu.memref_squeeze %dma_start3A_170 : memref<1x128x128xf32, #tpu.memory_space<vmem>> -> memref<128x128xf32, #tpu.memory_space<vmem>>
    %dma_start3A_172 = arith.constant 0 : i32
    %dma_start3A_173 = tpu.memref_slice %arg4[%select_n3A, %add3A_166, %dma_start3A_172] : memref<4x8192x128xf32, #tpu.memory_space<hbm>> -> memref<1x128x128xf32, #tpu.memory_space<hbm>>
    %dma_start3A_174 = tpu.memref_squeeze %dma_start3A_173 : memref<1x128x128xf32, #tpu.memory_space<hbm>> -> memref<128x128xf32, #tpu.memory_space<hbm>>
    %dma_start3A_175 = arith.constant 0 : i32
    %dma_start3A_176 = tpu.memref_slice %arg4[%select_n3A, %add3A_166, %dma_start3A_175] : memref<4x8192x128xf32, #tpu.memory_space<hbm>> -> memref<1x128x128xf32, #tpu.memory_space<hbm>>
    %dma_start3A_177 = tpu.memref_squeeze %dma_start3A_176 : memref<1x128x128xf32, #tpu.memory_space<hbm>> -> memref<128x128xf32, #tpu.memory_space<hbm>>
    %dma_start3A_178 = arith.constant 0 : i32
    %dma_start3A_179 = arith.constant 0 : i32
    %dma_start3A_180 = tpu.memref_slice %arg6[%dma_start3A_167, %dma_start3A_178, %dma_start3A_179] : memref<7x128x128xf32, #tpu.memory_space<vmem>> -> memref<1x128x128xf32, #tpu.memory_space<vmem>>
    %dma_start3A_181 = tpu.memref_squeeze %dma_start3A_180 : memref<1x128x128xf32, #tpu.memory_space<vmem>> -> memref<128x128xf32, #tpu.memory_space<vmem>>
    tpu.enqueue_dma source(%dma_start3A_181 : memref<128x128xf32, #tpu.memory_space<vmem>>) target(%dma_start3A_177 : memref<128x128xf32, #tpu.memory_space<hbm>>) target_semaphore(%arg8 : memref<!tpu.dma_semaphore, #tpu.memory_space<semaphore_mem>>)
    %dma_wait3A_182 = arith.constant 2 : i32
    %dma_wait3A_183 = arith.constant 0 : i32
    %dma_wait3A_184 = arith.constant 0 : i32
    %dma_wait3A_185 = tpu.memref_slice %arg6[%dma_wait3A_182, %dma_wait3A_183, %dma_wait3A_184] : memref<7x128x128xf32, #tpu.memory_space<vmem>> -> memref<1x128x128xf32, #tpu.memory_space<vmem>>
    %dma_wait3A_186 = tpu.memref_squeeze %dma_wait3A_185 : memref<1x128x128xf32, #tpu.memory_space<vmem>> -> memref<128x128xf32, #tpu.memory_space<vmem>>
    %dma_wait3A_187 = arith.constant 256 : i32
    %dma_wait3A_188 = tpu.memref_slice %arg5[%dma_wait3A_187] : memref<1024xi32, #tpu.memory_space<vmem>> -> memref<128xi32, #tpu.memory_space<vmem>>
    %dma_wait3A_189 = arith.constant 0 : i32
    %dma_wait3A_190 = arith.constant 0 : i32
    %dma_wait3A_191 = tpu.memref_slice %arg3[%dma_wait3A_189, %dma_wait3A_190] : memref<8192x128xf32, #tpu.memory_space<hbm>> -> memref<8192x128xf32, #tpu.memory_space<hbm>>
    tpu.wait_indirect_dma semaphore(%arg7 : memref<!tpu.dma_semaphore, #tpu.memory_space<semaphore_mem>>) src(%dma_wait3A_191 : memref<8192x128xf32, #tpu.memory_space<hbm>>) dst(%dma_wait3A_186 : memref<128x128xf32, #tpu.memory_space<vmem>>)
    %add3A_192 = arith.constant 256 : i32
    %add3A_193 = arith.addi %mul3A_32, %add3A_192 : i32
    %dma_start3A_194 = arith.constant 2 : i32
    %dma_start3A_195 = arith.constant 0 : i32
    %dma_start3A_196 = arith.constant 0 : i32
    %dma_start3A_197 = tpu.memref_slice %arg6[%dma_start3A_194, %dma_start3A_195, %dma_start3A_196] : memref<7x128x128xf32, #tpu.memory_space<vmem>> -> memref<1x128x128xf32, #tpu.memory_space<vmem>>
    %dma_start3A_198 = tpu.memref_squeeze %dma_start3A_197 : memref<1x128x128xf32, #tpu.memory_space<vmem>> -> memref<128x128xf32, #tpu.memory_space<vmem>>
    %dma_start3A_199 = arith.constant 0 : i32
    %dma_start3A_200 = tpu.memref_slice %arg4[%select_n3A, %add3A_193, %dma_start3A_199] : memref<4x8192x128xf32, #tpu.memory_space<hbm>> -> memref<1x128x128xf32, #tpu.memory_space<hbm>>
    %dma_start3A_201 = tpu.memref_squeeze %dma_start3A_200 : memref<1x128x128xf32, #tpu.memory_space<hbm>> -> memref<128x128xf32, #tpu.memory_space<hbm>>
    %dma_start3A_202 = arith.constant 0 : i32
    %dma_start3A_203 = tpu.memref_slice %arg4[%select_n3A, %add3A_193, %dma_start3A_202] : memref<4x8192x128xf32, #tpu.memory_space<hbm>> -> memref<1x128x128xf32, #tpu.memory_space<hbm>>
    %dma_start3A_204 = tpu.memref_squeeze %dma_start3A_203 : memref<1x128x128xf32, #tpu.memory_space<hbm>> -> memref<128x128xf32, #tpu.memory_space<hbm>>
    %dma_start3A_205 = arith.constant 0 : i32
    %dma_start3A_206 = arith.constant 0 : i32
    %dma_start3A_207 = tpu.memref_slice %arg6[%dma_start3A_194, %dma_start3A_205, %dma_start3A_206] : memref<7x128x128xf32, #tpu.memory_space<vmem>> -> memref<1x128x128xf32, #tpu.memory_space<vmem>>
    %dma_start3A_208 = tpu.memref_squeeze %dma_start3A_207 : memref<1x128x128xf32, #tpu.memory_space<vmem>> -> memref<128x128xf32, #tpu.memory_space<vmem>>
    tpu.enqueue_dma source(%dma_start3A_208 : memref<128x128xf32, #tpu.memory_space<vmem>>) target(%dma_start3A_204 : memref<128x128xf32, #tpu.memory_space<hbm>>) target_semaphore(%arg8 : memref<!tpu.dma_semaphore, #tpu.memory_space<semaphore_mem>>)
    %dma_wait3A_209 = arith.constant 3 : i32
    %dma_wait3A_210 = arith.constant 0 : i32
    %dma_wait3A_211 = arith.constant 0 : i32
    %dma_wait3A_212 = tpu.memref_slice %arg6[%dma_wait3A_209, %dma_wait3A_210, %dma_wait3A_211] : memref<7x128x128xf32, #tpu.memory_space<vmem>> -> memref<1x128x128xf32, #tpu.memory_space<vmem>>
    %dma_wait3A_213 = tpu.memref_squeeze %dma_wait3A_212 : memref<1x128x128xf32, #tpu.memory_space<vmem>> -> memref<128x128xf32, #tpu.memory_space<vmem>>
    %dma_wait3A_214 = arith.constant 384 : i32
    %dma_wait3A_215 = tpu.memref_slice %arg5[%dma_wait3A_214] : memref<1024xi32, #tpu.memory_space<vmem>> -> memref<128xi32, #tpu.memory_space<vmem>>
    %dma_wait3A_216 = arith.constant 0 : i32
    %dma_wait3A_217 = arith.constant 0 : i32
    %dma_wait3A_218 = tpu.memref_slice %arg3[%dma_wait3A_216, %dma_wait3A_217] : memref<8192x128xf32, #tpu.memory_space<hbm>> -> memref<8192x128xf32, #tpu.memory_space<hbm>>
    tpu.wait_indirect_dma semaphore(%arg7 : memref<!tpu.dma_semaphore, #tpu.memory_space<semaphore_mem>>) src(%dma_wait3A_218 : memref<8192x128xf32, #tpu.memory_space<hbm>>) dst(%dma_wait3A_213 : memref<128x128xf32, #tpu.memory_space<vmem>>)
    %add3A_219 = arith.constant 384 : i32
    %add3A_220 = arith.addi %mul3A_32, %add3A_219 : i32
    %dma_start3A_221 = arith.constant 3 : i32
    %dma_start3A_222 = arith.constant 0 : i32
    %dma_start3A_223 = arith.constant 0 : i32
    %dma_start3A_224 = tpu.memref_slice %arg6[%dma_start3A_221, %dma_start3A_222, %dma_start3A_223] : memref<7x128x128xf32, #tpu.memory_space<vmem>> -> memref<1x128x128xf32, #tpu.memory_space<vmem>>
    %dma_start3A_225 = tpu.memref_squeeze %dma_start3A_224 : memref<1x128x128xf32, #tpu.memory_space<vmem>> -> memref<128x128xf32, #tpu.memory_space<vmem>>
    %dma_start3A_226 = arith.constant 0 : i32
    %dma_start3A_227 = tpu.memref_slice %arg4[%select_n3A, %add3A_220, %dma_start3A_226] : memref<4x8192x128xf32, #tpu.memory_space<hbm>> -> memref<1x128x128xf32, #tpu.memory_space<hbm>>
    %dma_start3A_228 = tpu.memref_squeeze %dma_start3A_227 : memref<1x128x128xf32, #tpu.memory_space<hbm>> -> memref<128x128xf32, #tpu.memory_space<hbm>>
    %dma_start3A_229 = arith.constant 0 : i32
    %dma_start3A_230 = tpu.memref_slice %arg4[%select_n3A, %add3A_220, %dma_start3A_229] : memref<4x8192x128xf32, #tpu.memory_space<hbm>> -> memref<1x128x128xf32, #tpu.memory_space<hbm>>
    %dma_start3A_231 = tpu.memref_squeeze %dma_start3A_230 : memref<1x128x128xf32, #tpu.memory_space<hbm>> -> memref<128x128xf32, #tpu.memory_space<hbm>>
    %dma_start3A_232 = arith.constant 0 : i32
    %dma_start3A_233 = arith.constant 0 : i32
    %dma_start3A_234 = tpu.memref_slice %arg6[%dma_start3A_221, %dma_start3A_232, %dma_start3A_233] : memref<7x128x128xf32, #tpu.memory_space<vmem>> -> memref<1x128x128xf32, #tpu.memory_space<vmem>>
    %dma_start3A_235 = tpu.memref_squeeze %dma_start3A_234 : memref<1x128x128xf32, #tpu.memory_space<vmem>> -> memref<128x128xf32, #tpu.memory_space<vmem>>
    tpu.enqueue_dma source(%dma_start3A_235 : memref<128x128xf32, #tpu.memory_space<vmem>>) target(%dma_start3A_231 : memref<128x128xf32, #tpu.memory_space<hbm>>) target_semaphore(%arg8 : memref<!tpu.dma_semaphore, #tpu.memory_space<semaphore_mem>>)
    %dma_wait3A_236 = arith.constant 4 : i32
    %dma_wait3A_237 = arith.constant 0 : i32
    %dma_wait3A_238 = arith.constant 0 : i32
    %dma_wait3A_239 = tpu.memref_slice %arg6[%dma_wait3A_236, %dma_wait3A_237, %dma_wait3A_238] : memref<7x128x128xf32, #tpu.memory_space<vmem>> -> memref<1x128x128xf32, #tpu.memory_space<vmem>>
    %dma_wait3A_240 = tpu.memref_squeeze %dma_wait3A_239 : memref<1x128x128xf32, #tpu.memory_space<vmem>> -> memref<128x128xf32, #tpu.memory_space<vmem>>
    %dma_wait3A_241 = arith.constant 512 : i32
    %dma_wait3A_242 = tpu.memref_slice %arg5[%dma_wait3A_241] : memref<1024xi32, #tpu.memory_space<vmem>> -> memref<128xi32, #tpu.memory_space<vmem>>
    %dma_wait3A_243 = arith.constant 0 : i32
    %dma_wait3A_244 = arith.constant 0 : i32
    %dma_wait3A_245 = tpu.memref_slice %arg3[%dma_wait3A_243, %dma_wait3A_244] : memref<8192x128xf32, #tpu.memory_space<hbm>> -> memref<8192x128xf32, #tpu.memory_space<hbm>>
    tpu.wait_indirect_dma semaphore(%arg7 : memref<!tpu.dma_semaphore, #tpu.memory_space<semaphore_mem>>) src(%dma_wait3A_245 : memref<8192x128xf32, #tpu.memory_space<hbm>>) dst(%dma_wait3A_240 : memref<128x128xf32, #tpu.memory_space<vmem>>)
    %add3A_246 = arith.constant 512 : i32
    %add3A_247 = arith.addi %mul3A_32, %add3A_246 : i32
    %dma_start3A_248 = arith.constant 4 : i32
    %dma_start3A_249 = arith.constant 0 : i32
    %dma_start3A_250 = arith.constant 0 : i32
    %dma_start3A_251 = tpu.memref_slice %arg6[%dma_start3A_248, %dma_start3A_249, %dma_start3A_250] : memref<7x128x128xf32, #tpu.memory_space<vmem>> -> memref<1x128x128xf32, #tpu.memory_space<vmem>>
    %dma_start3A_252 = tpu.memref_squeeze %dma_start3A_251 : memref<1x128x128xf32, #tpu.memory_space<vmem>> -> memref<128x128xf32, #tpu.memory_space<vmem>>
    %dma_start3A_253 = arith.constant 0 : i32
    %dma_start3A_254 = tpu.memref_slice %arg4[%select_n3A, %add3A_247, %dma_start3A_253] : memref<4x8192x128xf32, #tpu.memory_space<hbm>> -> memref<1x128x128xf32, #tpu.memory_space<hbm>>
    %dma_start3A_255 = tpu.memref_squeeze %dma_start3A_254 : memref<1x128x128xf32, #tpu.memory_space<hbm>> -> memref<128x128xf32, #tpu.memory_space<hbm>>
    %dma_start3A_256 = arith.constant 0 : i32
    %dma_start3A_257 = tpu.memref_slice %arg4[%select_n3A, %add3A_247, %dma_start3A_256] : memref<4x8192x128xf32, #tpu.memory_space<hbm>> -> memref<1x128x128xf32, #tpu.memory_space<hbm>>
    %dma_start3A_258 = tpu.memref_squeeze %dma_start3A_257 : memref<1x128x128xf32, #tpu.memory_space<hbm>> -> memref<128x128xf32, #tpu.memory_space<hbm>>
    %dma_start3A_259 = arith.constant 0 : i32
    %dma_start3A_260 = arith.constant 0 : i32
    %dma_start3A_261 = tpu.memref_slice %arg6[%dma_start3A_248, %dma_start3A_259, %dma_start3A_260] : memref<7x128x128xf32, #tpu.memory_space<vmem>> -> memref<1x128x128xf32, #tpu.memory_space<vmem>>
    %dma_start3A_262 = tpu.memref_squeeze %dma_start3A_261 : memref<1x128x128xf32, #tpu.memory_space<vmem>> -> memref<128x128xf32, #tpu.memory_space<vmem>>
    tpu.enqueue_dma source(%dma_start3A_262 : memref<128x128xf32, #tpu.memory_space<vmem>>) target(%dma_start3A_258 : memref<128x128xf32, #tpu.memory_space<hbm>>) target_semaphore(%arg8 : memref<!tpu.dma_semaphore, #tpu.memory_space<semaphore_mem>>)
    %dma_wait3A_263 = arith.constant 5 : i32
    %dma_wait3A_264 = arith.constant 0 : i32
    %dma_wait3A_265 = arith.constant 0 : i32
    %dma_wait3A_266 = tpu.memref_slice %arg6[%dma_wait3A_263, %dma_wait3A_264, %dma_wait3A_265] : memref<7x128x128xf32, #tpu.memory_space<vmem>> -> memref<1x128x128xf32, #tpu.memory_space<vmem>>
    %dma_wait3A_267 = tpu.memref_squeeze %dma_wait3A_266 : memref<1x128x128xf32, #tpu.memory_space<vmem>> -> memref<128x128xf32, #tpu.memory_space<vmem>>
    %dma_wait3A_268 = arith.constant 640 : i32
    %dma_wait3A_269 = tpu.memref_slice %arg5[%dma_wait3A_268] : memref<1024xi32, #tpu.memory_space<vmem>> -> memref<128xi32, #tpu.memory_space<vmem>>
    %dma_wait3A_270 = arith.constant 0 : i32
    %dma_wait3A_271 = arith.constant 0 : i32
    %dma_wait3A_272 = tpu.memref_slice %arg3[%dma_wait3A_270, %dma_wait3A_271] : memref<8192x128xf32, #tpu.memory_space<hbm>> -> memref<8192x128xf32, #tpu.memory_space<hbm>>
    tpu.wait_indirect_dma semaphore(%arg7 : memref<!tpu.dma_semaphore, #tpu.memory_space<semaphore_mem>>) src(%dma_wait3A_272 : memref<8192x128xf32, #tpu.memory_space<hbm>>) dst(%dma_wait3A_267 : memref<128x128xf32, #tpu.memory_space<vmem>>)
    %add3A_273 = arith.constant 640 : i32
    %add3A_274 = arith.addi %mul3A_32, %add3A_273 : i32
    %dma_start3A_275 = arith.constant 5 : i32
    %dma_start3A_276 = arith.constant 0 : i32
    %dma_start3A_277 = arith.constant 0 : i32
    %dma_start3A_278 = tpu.memref_slice %arg6[%dma_start3A_275, %dma_start3A_276, %dma_start3A_277] : memref<7x128x128xf32, #tpu.memory_space<vmem>> -> memref<1x128x128xf32, #tpu.memory_space<vmem>>
    %dma_start3A_279 = tpu.memref_squeeze %dma_start3A_278 : memref<1x128x128xf32, #tpu.memory_space<vmem>> -> memref<128x128xf32, #tpu.memory_space<vmem>>
    %dma_start3A_280 = arith.constant 0 : i32
    %dma_start3A_281 = tpu.memref_slice %arg4[%select_n3A, %add3A_274, %dma_start3A_280] : memref<4x8192x128xf32, #tpu.memory_space<hbm>> -> memref<1x128x128xf32, #tpu.memory_space<hbm>>
    %dma_start3A_282 = tpu.memref_squeeze %dma_start3A_281 : memref<1x128x128xf32, #tpu.memory_space<hbm>> -> memref<128x128xf32, #tpu.memory_space<hbm>>
    %dma_start3A_283 = arith.constant 0 : i32
    %dma_start3A_284 = tpu.memref_slice %arg4[%select_n3A, %add3A_274, %dma_start3A_283] : memref<4x8192x128xf32, #tpu.memory_space<hbm>> -> memref<1x128x128xf32, #tpu.memory_space<hbm>>
    %dma_start3A_285 = tpu.memref_squeeze %dma_start3A_284 : memref<1x128x128xf32, #tpu.memory_space<hbm>> -> memref<128x128xf32, #tpu.memory_space<hbm>>
    %dma_start3A_286 = arith.constant 0 : i32
    %dma_start3A_287 = arith.constant 0 : i32
    %dma_start3A_288 = tpu.memref_slice %arg6[%dma_start3A_275, %dma_start3A_286, %dma_start3A_287] : memref<7x128x128xf32, #tpu.memory_space<vmem>> -> memref<1x128x128xf32, #tpu.memory_space<vmem>>
    %dma_start3A_289 = tpu.memref_squeeze %dma_start3A_288 : memref<1x128x128xf32, #tpu.memory_space<vmem>> -> memref<128x128xf32, #tpu.memory_space<vmem>>
    tpu.enqueue_dma source(%dma_start3A_289 : memref<128x128xf32, #tpu.memory_space<vmem>>) target(%dma_start3A_285 : memref<128x128xf32, #tpu.memory_space<hbm>>) target_semaphore(%arg8 : memref<!tpu.dma_semaphore, #tpu.memory_space<semaphore_mem>>)
    %dma_wait3A_290 = arith.constant 6 : i32
    %dma_wait3A_291 = arith.constant 0 : i32
    %dma_wait3A_292 = arith.constant 0 : i32
    %dma_wait3A_293 = tpu.memref_slice %arg6[%dma_wait3A_290, %dma_wait3A_291, %dma_wait3A_292] : memref<7x128x128xf32, #tpu.memory_space<vmem>> -> memref<1x128x128xf32, #tpu.memory_space<vmem>>
    %dma_wait3A_294 = tpu.memref_squeeze %dma_wait3A_293 : memref<1x128x128xf32, #tpu.memory_space<vmem>> -> memref<128x128xf32, #tpu.memory_space<vmem>>
    %dma_wait3A_295 = arith.constant 768 : i32
    %dma_wait3A_296 = tpu.memref_slice %arg5[%dma_wait3A_295] : memref<1024xi32, #tpu.memory_space<vmem>> -> memref<128xi32, #tpu.memory_space<vmem>>
    %dma_wait3A_297 = arith.constant 0 : i32
    %dma_wait3A_298 = arith.constant 0 : i32
    %dma_wait3A_299 = tpu.memref_slice %arg3[%dma_wait3A_297, %dma_wait3A_298] : memref<8192x128xf32, #tpu.memory_space<hbm>> -> memref<8192x128xf32, #tpu.memory_space<hbm>>
    tpu.wait_indirect_dma semaphore(%arg7 : memref<!tpu.dma_semaphore, #tpu.memory_space<semaphore_mem>>) src(%dma_wait3A_299 : memref<8192x128xf32, #tpu.memory_space<hbm>>) dst(%dma_wait3A_294 : memref<128x128xf32, #tpu.memory_space<vmem>>)
    %add3A_300 = arith.constant 768 : i32
    %add3A_301 = arith.addi %mul3A_32, %add3A_300 : i32
    %dma_start3A_302 = arith.constant 6 : i32
    %dma_start3A_303 = arith.constant 0 : i32
    %dma_start3A_304 = arith.constant 0 : i32
    %dma_start3A_305 = tpu.memref_slice %arg6[%dma_start3A_302, %dma_start3A_303, %dma_start3A_304] : memref<7x128x128xf32, #tpu.memory_space<vmem>> -> memref<1x128x128xf32, #tpu.memory_space<vmem>>
    %dma_start3A_306 = tpu.memref_squeeze %dma_start3A_305 : memref<1x128x128xf32, #tpu.memory_space<vmem>> -> memref<128x128xf32, #tpu.memory_space<vmem>>
    %dma_start3A_307 = arith.constant 0 : i32
    %dma_start3A_308 = tpu.memref_slice %arg4[%select_n3A, %add3A_301, %dma_start3A_307] : memref<4x8192x128xf32, #tpu.memory_space<hbm>> -> memref<1x128x128xf32, #tpu.memory_space<hbm>>
    %dma_start3A_309 = tpu.memref_squeeze %dma_start3A_308 : memref<1x128x128xf32, #tpu.memory_space<hbm>> -> memref<128x128xf32, #tpu.memory_space<hbm>>
    %dma_start3A_310 = arith.constant 0 : i32
    %dma_start3A_311 = tpu.memref_slice %arg4[%select_n3A, %add3A_301, %dma_start3A_310] : memref<4x8192x128xf32, #tpu.memory_space<hbm>> -> memref<1x128x128xf32, #tpu.memory_space<hbm>>
    %dma_start3A_312 = tpu.memref_squeeze %dma_start3A_311 : memref<1x128x128xf32, #tpu.memory_space<hbm>> -> memref<128x128xf32, #tpu.memory_space<hbm>>
    %dma_start3A_313 = arith.constant 0 : i32
    %dma_start3A_314 = arith.constant 0 : i32
    %dma_start3A_315 = tpu.memref_slice %arg6[%dma_start3A_302, %dma_start3A_313, %dma_start3A_314] : memref<7x128x128xf32, #tpu.memory_space<vmem>> -> memref<1x128x128xf32, #tpu.memory_space<vmem>>
    %dma_start3A_316 = tpu.memref_squeeze %dma_start3A_315 : memref<1x128x128xf32, #tpu.memory_space<vmem>> -> memref<128x128xf32, #tpu.memory_space<vmem>>
    tpu.enqueue_dma source(%dma_start3A_316 : memref<128x128xf32, #tpu.memory_space<vmem>>) target(%dma_start3A_312 : memref<128x128xf32, #tpu.memory_space<hbm>>) target_semaphore(%arg8 : memref<!tpu.dma_semaphore, #tpu.memory_space<semaphore_mem>>)
    %dma_wait3A_317 = arith.constant 0 : i32
    %dma_wait3A_318 = arith.constant 0 : i32
    %dma_wait3A_319 = arith.constant 0 : i32
    %dma_wait3A_320 = tpu.memref_slice %arg6[%dma_wait3A_317, %dma_wait3A_318, %dma_wait3A_319] : memref<7x128x128xf32, #tpu.memory_space<vmem>> -> memref<1x128x128xf32, #tpu.memory_space<vmem>>
    %dma_wait3A_321 = tpu.memref_squeeze %dma_wait3A_320 : memref<1x128x128xf32, #tpu.memory_space<vmem>> -> memref<128x128xf32, #tpu.memory_space<vmem>>
    %dma_wait3A_322 = arith.constant 896 : i32
    %dma_wait3A_323 = tpu.memref_slice %arg5[%dma_wait3A_322] : memref<1024xi32, #tpu.memory_space<vmem>> -> memref<128xi32, #tpu.memory_space<vmem>>
    %dma_wait3A_324 = arith.constant 0 : i32
    %dma_wait3A_325 = arith.constant 0 : i32
    %dma_wait3A_326 = tpu.memref_slice %arg3[%dma_wait3A_324, %dma_wait3A_325] : memref<8192x128xf32, #tpu.memory_space<hbm>> -> memref<8192x128xf32, #tpu.memory_space<hbm>>
    tpu.wait_indirect_dma semaphore(%arg7 : memref<!tpu.dma_semaphore, #tpu.memory_space<semaphore_mem>>) src(%dma_wait3A_326 : memref<8192x128xf32, #tpu.memory_space<hbm>>) dst(%dma_wait3A_321 : memref<128x128xf32, #tpu.memory_space<vmem>>)
    %add3A_327 = arith.constant 896 : i32
    %add3A_328 = arith.addi %mul3A_32, %add3A_327 : i32
    %dma_start3A_329 = arith.constant 0 : i32
    %dma_start3A_330 = arith.constant 0 : i32
    %dma_start3A_331 = arith.constant 0 : i32
    %dma_start3A_332 = tpu.memref_slice %arg6[%dma_start3A_329, %dma_start3A_330, %dma_start3A_331] : memref<7x128x128xf32, #tpu.memory_space<vmem>> -> memref<1x128x128xf32, #tpu.memory_space<vmem>>
    %dma_start3A_333 = tpu.memref_squeeze %dma_start3A_332 : memref<1x128x128xf32, #tpu.memory_space<vmem>> -> memref<128x128xf32, #tpu.memory_space<vmem>>
    %dma_start3A_334 = arith.constant 0 : i32
    %dma_start3A_335 = tpu.memref_slice %arg4[%select_n3A, %add3A_328, %dma_start3A_334] : memref<4x8192x128xf32, #tpu.memory_space<hbm>> -> memref<1x128x128xf32, #tpu.memory_space<hbm>>
    %dma_start3A_336 = tpu.memref_squeeze %dma_start3A_335 : memref<1x128x128xf32, #tpu.memory_space<hbm>> -> memref<128x128xf32, #tpu.memory_space<hbm>>
    %dma_start3A_337 = arith.constant 0 : i32
    %dma_start3A_338 = tpu.memref_slice %arg4[%select_n3A, %add3A_328, %dma_start3A_337] : memref<4x8192x128xf32, #tpu.memory_space<hbm>> -> memref<1x128x128xf32, #tpu.memory_space<hbm>>
    %dma_start3A_339 = tpu.memref_squeeze %dma_start3A_338 : memref<1x128x128xf32, #tpu.memory_space<hbm>> -> memref<128x128xf32, #tpu.memory_space<hbm>>
    %dma_start3A_340 = arith.constant 0 : i32
    %dma_start3A_341 = arith.constant 0 : i32
    %dma_start3A_342 = tpu.memref_slice %arg6[%dma_start3A_329, %dma_start3A_340, %dma_start3A_341] : memref<7x128x128xf32, #tpu.memory_space<vmem>> -> memref<1x128x128xf32, #tpu.memory_space<vmem>>
    %dma_start3A_343 = tpu.memref_squeeze %dma_start3A_342 : memref<1x128x128xf32, #tpu.memory_space<vmem>> -> memref<128x128xf32, #tpu.memory_space<vmem>>
    tpu.enqueue_dma source(%dma_start3A_343 : memref<128x128xf32, #tpu.memory_space<vmem>>) target(%dma_start3A_339 : memref<128x128xf32, #tpu.memory_space<hbm>>) target_semaphore(%arg8 : memref<!tpu.dma_semaphore, #tpu.memory_space<semaphore_mem>>)
    %dma_wait3A_344 = arith.constant 1 : i32
    %dma_wait3A_345 = arith.constant 0 : i32
    %dma_wait3A_346 = arith.constant 0 : i32
    %dma_wait3A_347 = tpu.memref_slice %arg6[%dma_wait3A_344, %dma_wait3A_345, %dma_wait3A_346] : memref<7x128x128xf32, #tpu.memory_space<vmem>> -> memref<1x128x128xf32, #tpu.memory_space<vmem>>
    %dma_wait3A_348 = tpu.memref_squeeze %dma_wait3A_347 : memref<1x128x128xf32, #tpu.memory_space<vmem>> -> memref<128x128xf32, #tpu.memory_space<vmem>>
    %dma_wait3A_349 = arith.constant 0 : i32
    %dma_wait3A_350 = tpu.memref_slice %arg4[%select_n3A, %add3A_166, %dma_wait3A_349] : memref<4x8192x128xf32, #tpu.memory_space<hbm>> -> memref<1x128x128xf32, #tpu.memory_space<hbm>>
    %dma_wait3A_351 = tpu.memref_squeeze %dma_wait3A_350 : memref<1x128x128xf32, #tpu.memory_space<hbm>> -> memref<128x128xf32, #tpu.memory_space<hbm>>
    %dma_wait3A_352 = arith.constant 0 : i32
    %dma_wait3A_353 = tpu.memref_slice %arg4[%select_n3A, %add3A_166, %dma_wait3A_352] : memref<4x8192x128xf32, #tpu.memory_space<hbm>> -> memref<1x128x128xf32, #tpu.memory_space<hbm>>
    %dma_wait3A_354 = tpu.memref_squeeze %dma_wait3A_353 : memref<1x128x128xf32, #tpu.memory_space<hbm>> -> memref<128x128xf32, #tpu.memory_space<hbm>>
    %dma_wait3A_355 = arith.constant 0 : i32
    %dma_wait3A_356 = arith.constant 0 : i32
    %dma_wait3A_357 = tpu.memref_slice %arg6[%dma_wait3A_344, %dma_wait3A_355, %dma_wait3A_356] : memref<7x128x128xf32, #tpu.memory_space<vmem>> -> memref<1x128x128xf32, #tpu.memory_space<vmem>>
    %dma_wait3A_358 = tpu.memref_squeeze %dma_wait3A_357 : memref<1x128x128xf32, #tpu.memory_space<vmem>> -> memref<128x128xf32, #tpu.memory_space<vmem>>
    tpu.wait_dma2 semaphore(%arg8 : memref<!tpu.dma_semaphore, #tpu.memory_space<semaphore_mem>>) src(%dma_wait3A_358 : memref<128x128xf32, #tpu.memory_space<vmem>>) dst(%dma_wait3A_354 : memref<128x128xf32, #tpu.memory_space<hbm>>)
    %dma_wait3A_359 = arith.constant 2 : i32
    %dma_wait3A_360 = arith.constant 0 : i32
    %dma_wait3A_361 = arith.constant 0 : i32
    %dma_wait3A_362 = tpu.memref_slice %arg6[%dma_wait3A_359, %dma_wait3A_360, %dma_wait3A_361] : memref<7x128x128xf32, #tpu.memory_space<vmem>> -> memref<1x128x128xf32, #tpu.memory_space<vmem>>
    %dma_wait3A_363 = tpu.memref_squeeze %dma_wait3A_362 : memref<1x128x128xf32, #tpu.memory_space<vmem>> -> memref<128x128xf32, #tpu.memory_space<vmem>>
    %dma_wait3A_364 = arith.constant 0 : i32
    %dma_wait3A_365 = tpu.memref_slice %arg4[%select_n3A, %add3A_193, %dma_wait3A_364] : memref<4x8192x128xf32, #tpu.memory_space<hbm>> -> memref<1x128x128xf32, #tpu.memory_space<hbm>>
    %dma_wait3A_366 = tpu.memref_squeeze %dma_wait3A_365 : memref<1x128x128xf32, #tpu.memory_space<hbm>> -> memref<128x128xf32, #tpu.memory_space<hbm>>
    %dma_wait3A_367 = arith.constant 0 : i32
    %dma_wait3A_368 = tpu.memref_slice %arg4[%select_n3A, %add3A_193, %dma_wait3A_367] : memref<4x8192x128xf32, #tpu.memory_space<hbm>> -> memref<1x128x128xf32, #tpu.memory_space<hbm>>
    %dma_wait3A_369 = tpu.memref_squeeze %dma_wait3A_368 : memref<1x128x128xf32, #tpu.memory_space<hbm>> -> memref<128x128xf32, #tpu.memory_space<hbm>>
    %dma_wait3A_370 = arith.constant 0 : i32
    %dma_wait3A_371 = arith.constant 0 : i32
    %dma_wait3A_372 = tpu.memref_slice %arg6[%dma_wait3A_359, %dma_wait3A_370, %dma_wait3A_371] : memref<7x128x128xf32, #tpu.memory_space<vmem>> -> memref<1x128x128xf32, #tpu.memory_space<vmem>>
    %dma_wait3A_373 = tpu.memref_squeeze %dma_wait3A_372 : memref<1x128x128xf32, #tpu.memory_space<vmem>> -> memref<128x128xf32, #tpu.memory_space<vmem>>
    tpu.wait_dma2 semaphore(%arg8 : memref<!tpu.dma_semaphore, #tpu.memory_space<semaphore_mem>>) src(%dma_wait3A_373 : memref<128x128xf32, #tpu.memory_space<vmem>>) dst(%dma_wait3A_369 : memref<128x128xf32, #tpu.memory_space<hbm>>)
    %dma_wait3A_374 = arith.constant 3 : i32
    %dma_wait3A_375 = arith.constant 0 : i32
    %dma_wait3A_376 = arith.constant 0 : i32
    %dma_wait3A_377 = tpu.memref_slice %arg6[%dma_wait3A_374, %dma_wait3A_375, %dma_wait3A_376] : memref<7x128x128xf32, #tpu.memory_space<vmem>> -> memref<1x128x128xf32, #tpu.memory_space<vmem>>
    %dma_wait3A_378 = tpu.memref_squeeze %dma_wait3A_377 : memref<1x128x128xf32, #tpu.memory_space<vmem>> -> memref<128x128xf32, #tpu.memory_space<vmem>>
    %dma_wait3A_379 = arith.constant 0 : i32
    %dma_wait3A_380 = tpu.memref_slice %arg4[%select_n3A, %add3A_220, %dma_wait3A_379] : memref<4x8192x128xf32, #tpu.memory_space<hbm>> -> memref<1x128x128xf32, #tpu.memory_space<hbm>>
    %dma_wait3A_381 = tpu.memref_squeeze %dma_wait3A_380 : memref<1x128x128xf32, #tpu.memory_space<hbm>> -> memref<128x128xf32, #tpu.memory_space<hbm>>
    %dma_wait3A_382 = arith.constant 0 : i32
    %dma_wait3A_383 = tpu.memref_slice %arg4[%select_n3A, %add3A_220, %dma_wait3A_382] : memref<4x8192x128xf32, #tpu.memory_space<hbm>> -> memref<1x128x128xf32, #tpu.memory_space<hbm>>
    %dma_wait3A_384 = tpu.memref_squeeze %dma_wait3A_383 : memref<1x128x128xf32, #tpu.memory_space<hbm>> -> memref<128x128xf32, #tpu.memory_space<hbm>>
    %dma_wait3A_385 = arith.constant 0 : i32
    %dma_wait3A_386 = arith.constant 0 : i32
    %dma_wait3A_387 = tpu.memref_slice %arg6[%dma_wait3A_374, %dma_wait3A_385, %dma_wait3A_386] : memref<7x128x128xf32, #tpu.memory_space<vmem>> -> memref<1x128x128xf32, #tpu.memory_space<vmem>>
    %dma_wait3A_388 = tpu.memref_squeeze %dma_wait3A_387 : memref<1x128x128xf32, #tpu.memory_space<vmem>> -> memref<128x128xf32, #tpu.memory_space<vmem>>
    tpu.wait_dma2 semaphore(%arg8 : memref<!tpu.dma_semaphore, #tpu.memory_space<semaphore_mem>>) src(%dma_wait3A_388 : memref<128x128xf32, #tpu.memory_space<vmem>>) dst(%dma_wait3A_384 : memref<128x128xf32, #tpu.memory_space<hbm>>)
    %dma_wait3A_389 = arith.constant 4 : i32
    %dma_wait3A_390 = arith.constant 0 : i32
    %dma_wait3A_391 = arith.constant 0 : i32
    %dma_wait3A_392 = tpu.memref_slice %arg6[%dma_wait3A_389, %dma_wait3A_390, %dma_wait3A_391] : memref<7x128x128xf32, #tpu.memory_space<vmem>> -> memref<1x128x128xf32, #tpu.memory_space<vmem>>
    %dma_wait3A_393 = tpu.memref_squeeze %dma_wait3A_392 : memref<1x128x128xf32, #tpu.memory_space<vmem>> -> memref<128x128xf32, #tpu.memory_space<vmem>>
    %dma_wait3A_394 = arith.constant 0 : i32
    %dma_wait3A_395 = tpu.memref_slice %arg4[%select_n3A, %add3A_247, %dma_wait3A_394] : memref<4x8192x128xf32, #tpu.memory_space<hbm>> -> memref<1x128x128xf32, #tpu.memory_space<hbm>>
    %dma_wait3A_396 = tpu.memref_squeeze %dma_wait3A_395 : memref<1x128x128xf32, #tpu.memory_space<hbm>> -> memref<128x128xf32, #tpu.memory_space<hbm>>
    %dma_wait3A_397 = arith.constant 0 : i32
    %dma_wait3A_398 = tpu.memref_slice %arg4[%select_n3A, %add3A_247, %dma_wait3A_397] : memref<4x8192x128xf32, #tpu.memory_space<hbm>> -> memref<1x128x128xf32, #tpu.memory_space<hbm>>
    %dma_wait3A_399 = tpu.memref_squeeze %dma_wait3A_398 : memref<1x128x128xf32, #tpu.memory_space<hbm>> -> memref<128x128xf32, #tpu.memory_space<hbm>>
    %dma_wait3A_400 = arith.constant 0 : i32
    %dma_wait3A_401 = arith.constant 0 : i32
    %dma_wait3A_402 = tpu.memref_slice %arg6[%dma_wait3A_389, %dma_wait3A_400, %dma_wait3A_401] : memref<7x128x128xf32, #tpu.memory_space<vmem>> -> memref<1x128x128xf32, #tpu.memory_space<vmem>>
    %dma_wait3A_403 = tpu.memref_squeeze %dma_wait3A_402 : memref<1x128x128xf32, #tpu.memory_space<vmem>> -> memref<128x128xf32, #tpu.memory_space<vmem>>
    tpu.wait_dma2 semaphore(%arg8 : memref<!tpu.dma_semaphore, #tpu.memory_space<semaphore_mem>>) src(%dma_wait3A_403 : memref<128x128xf32, #tpu.memory_space<vmem>>) dst(%dma_wait3A_399 : memref<128x128xf32, #tpu.memory_space<hbm>>)
    %dma_wait3A_404 = arith.constant 5 : i32
    %dma_wait3A_405 = arith.constant 0 : i32
    %dma_wait3A_406 = arith.constant 0 : i32
    %dma_wait3A_407 = tpu.memref_slice %arg6[%dma_wait3A_404, %dma_wait3A_405, %dma_wait3A_406] : memref<7x128x128xf32, #tpu.memory_space<vmem>> -> memref<1x128x128xf32, #tpu.memory_space<vmem>>
    %dma_wait3A_408 = tpu.memref_squeeze %dma_wait3A_407 : memref<1x128x128xf32, #tpu.memory_space<vmem>> -> memref<128x128xf32, #tpu.memory_space<vmem>>
    %dma_wait3A_409 = arith.constant 0 : i32
    %dma_wait3A_410 = tpu.memref_slice %arg4[%select_n3A, %add3A_274, %dma_wait3A_409] : memref<4x8192x128xf32, #tpu.memory_space<hbm>> -> memref<1x128x128xf32, #tpu.memory_space<hbm>>
    %dma_wait3A_411 = tpu.memref_squeeze %dma_wait3A_410 : memref<1x128x128xf32, #tpu.memory_space<hbm>> -> memref<128x128xf32, #tpu.memory_space<hbm>>
    %dma_wait3A_412 = arith.constant 0 : i32
    %dma_wait3A_413 = tpu.memref_slice %arg4[%select_n3A, %add3A_274, %dma_wait3A_412] : memref<4x8192x128xf32, #tpu.memory_space<hbm>> -> memref<1x128x128xf32, #tpu.memory_space<hbm>>
    %dma_wait3A_414 = tpu.memref_squeeze %dma_wait3A_413 : memref<1x128x128xf32, #tpu.memory_space<hbm>> -> memref<128x128xf32, #tpu.memory_space<hbm>>
    %dma_wait3A_415 = arith.constant 0 : i32
    %dma_wait3A_416 = arith.constant 0 : i32
    %dma_wait3A_417 = tpu.memref_slice %arg6[%dma_wait3A_404, %dma_wait3A_415, %dma_wait3A_416] : memref<7x128x128xf32, #tpu.memory_space<vmem>> -> memref<1x128x128xf32, #tpu.memory_space<vmem>>
    %dma_wait3A_418 = tpu.memref_squeeze %dma_wait3A_417 : memref<1x128x128xf32, #tpu.memory_space<vmem>> -> memref<128x128xf32, #tpu.memory_space<vmem>>
    tpu.wait_dma2 semaphore(%arg8 : memref<!tpu.dma_semaphore, #tpu.memory_space<semaphore_mem>>) src(%dma_wait3A_418 : memref<128x128xf32, #tpu.memory_space<vmem>>) dst(%dma_wait3A_414 : memref<128x128xf32, #tpu.memory_space<hbm>>)
    %dma_wait3A_419 = arith.constant 6 : i32
    %dma_wait3A_420 = arith.constant 0 : i32
    %dma_wait3A_421 = arith.constant 0 : i32
    %dma_wait3A_422 = tpu.memref_slice %arg6[%dma_wait3A_419, %dma_wait3A_420, %dma_wait3A_421] : memref<7x128x128xf32, #tpu.memory_space<vmem>> -> memref<1x128x128xf32, #tpu.memory_space<vmem>>
    %dma_wait3A_423 = tpu.memref_squeeze %dma_wait3A_422 : memref<1x128x128xf32, #tpu.memory_space<vmem>> -> memref<128x128xf32, #tpu.memory_space<vmem>>
    %dma_wait3A_424 = arith.constant 0 : i32
    %dma_wait3A_425 = tpu.memref_slice %arg4[%select_n3A, %add3A_301, %dma_wait3A_424] : memref<4x8192x128xf32, #tpu.memory_space<hbm>> -> memref<1x128x128xf32, #tpu.memory_space<hbm>>
    %dma_wait3A_426 = tpu.memref_squeeze %dma_wait3A_425 : memref<1x128x128xf32, #tpu.memory_space<hbm>> -> memref<128x128xf32, #tpu.memory_space<hbm>>
    %dma_wait3A_427 = arith.constant 0 : i32
    %dma_wait3A_428 = tpu.memref_slice %arg4[%select_n3A, %add3A_301, %dma_wait3A_427] : memref<4x8192x128xf32, #tpu.memory_space<hbm>> -> memref<1x128x128xf32, #tpu.memory_space<hbm>>
    %dma_wait3A_429 = tpu.memref_squeeze %dma_wait3A_428 : memref<1x128x128xf32, #tpu.memory_space<hbm>> -> memref<128x128xf32, #tpu.memory_space<hbm>>
    %dma_wait3A_430 = arith.constant 0 : i32
    %dma_wait3A_431 = arith.constant 0 : i32
    %dma_wait3A_432 = tpu.memref_slice %arg6[%dma_wait3A_419, %dma_wait3A_430, %dma_wait3A_431] : memref<7x128x128xf32, #tpu.memory_space<vmem>> -> memref<1x128x128xf32, #tpu.memory_space<vmem>>
    %dma_wait3A_433 = tpu.memref_squeeze %dma_wait3A_432 : memref<1x128x128xf32, #tpu.memory_space<vmem>> -> memref<128x128xf32, #tpu.memory_space<vmem>>
    tpu.wait_dma2 semaphore(%arg8 : memref<!tpu.dma_semaphore, #tpu.memory_space<semaphore_mem>>) src(%dma_wait3A_433 : memref<128x128xf32, #tpu.memory_space<vmem>>) dst(%dma_wait3A_429 : memref<128x128xf32, #tpu.memory_space<hbm>>)
    %dma_wait3A_434 = arith.constant 0 : i32
    %dma_wait3A_435 = arith.constant 0 : i32
    %dma_wait3A_436 = arith.constant 0 : i32
    %dma_wait3A_437 = tpu.memref_slice %arg6[%dma_wait3A_434, %dma_wait3A_435, %dma_wait3A_436] : memref<7x128x128xf32, #tpu.memory_space<vmem>> -> memref<1x128x128xf32, #tpu.memory_space<vmem>>
    %dma_wait3A_438 = tpu.memref_squeeze %dma_wait3A_437 : memref<1x128x128xf32, #tpu.memory_space<vmem>> -> memref<128x128xf32, #tpu.memory_space<vmem>>
    %dma_wait3A_439 = arith.constant 0 : i32
    %dma_wait3A_440 = tpu.memref_slice %arg4[%select_n3A, %add3A_328, %dma_wait3A_439] : memref<4x8192x128xf32, #tpu.memory_space<hbm>> -> memref<1x128x128xf32, #tpu.memory_space<hbm>>
    %dma_wait3A_441 = tpu.memref_squeeze %dma_wait3A_440 : memref<1x128x128xf32, #tpu.memory_space<hbm>> -> memref<128x128xf32, #tpu.memory_space<hbm>>
    %dma_wait3A_442 = arith.constant 0 : i32
    %dma_wait3A_443 = tpu.memref_slice %arg4[%select_n3A, %add3A_328, %dma_wait3A_442] : memref<4x8192x128xf32, #tpu.memory_space<hbm>> -> memref<1x128x128xf32, #tpu.memory_space<hbm>>
    %dma_wait3A_444 = tpu.memref_squeeze %dma_wait3A_443 : memref<1x128x128xf32, #tpu.memory_space<hbm>> -> memref<128x128xf32, #tpu.memory_space<hbm>>
    %dma_wait3A_445 = arith.constant 0 : i32
    %dma_wait3A_446 = arith.constant 0 : i32
    %dma_wait3A_447 = tpu.memref_slice %arg6[%dma_wait3A_434, %dma_wait3A_445, %dma_wait3A_446] : memref<7x128x128xf32, #tpu.memory_space<vmem>> -> memref<1x128x128xf32, #tpu.memory_space<vmem>>
    %dma_wait3A_448 = tpu.memref_squeeze %dma_wait3A_447 : memref<1x128x128xf32, #tpu.memory_space<vmem>> -> memref<128x128xf32, #tpu.memory_space<vmem>>
    tpu.wait_dma2 semaphore(%arg8 : memref<!tpu.dma_semaphore, #tpu.memory_space<semaphore_mem>>) src(%dma_wait3A_448 : memref<128x128xf32, #tpu.memory_space<vmem>>) dst(%dma_wait3A_444 : memref<128x128xf32, #tpu.memory_space<hbm>>)
    return
  }
}

</mosaic_0001>

<sc_bundles>
// kernel: kernel.3.cloned.1.call-start
scs
__scs_entry_jumppad:
0x0: {  	(pc) =	sbr.rel $0x88, $3  }
0x1: {  	(tag) =	ssettag $0x0;
	lr =	simm.s32 $0x1  }
0x2: {  	[smem:$0x3F9F] =	sst lr;
	_ =	strace $0xD0000000  }
0x3: {  	_ = 	snop  }
0x4: {  	_ = 	snop  }
0x5: {  	_ = 	snop  }
0x6: {  	_ = 	snop  }
0x7: {  	_ = 	snop  }
__scs_overlays_trampoline_lowered:
0x8: {  	[smem:$0x3FAE] =	sst s0  }
0x9: {  	[smem:$0x3FAF] =	sst s1  }
0xa: {  	[smem:$0x3FB0] =	sst s2  }
0xb: {  	[smem:$0x3FB1] =	sst s3  }
0xc: {  	[smem:$0x3FB2] =	sst s4  }
0xd: {  	[smem:$0x3FB3] =	sst s5  }
0xe: {  	[smem:$0x3FB4] =	sst s6  }
0xf: {  	[smem:$0x3FB5] =	sst s7  }
0x10: {  	[smem:$0x3FB6] =	sst s8  }
0x11: {  	[smem:$0x3FB7] =	sst s9;
	s0 =	simm.s32 @!p0 $0x0  }
0x12: {  	s1 =	sld [smem:$0x3F9D];
	s0 =	simm.s32 @p0 $0x1  }
0x13: {  	[smem:$0x3FB8] =	sst s0;
	s0 =	simm.s32 @!p1 $0x0  }
0x14: {  	s2 =	sld [smem:$0x3F9C];
	s0 =	simm.s32 @p1 $0x1  }
0x15: {  	[smem:$0x3FB9] =	sst s0;
	s0 =	simm.s32 @!p2 $0x0  }
0x16: {  	s3 =	sld [smem:$0x3FDB];
	s0 =	simm.s32 @p2 $0x1  }
0x17: {  	s4 =	simm.s32 $0x1BF5;
	[smem:$0x3FBB] =	sst s0  }
0x18: {  	s0 =	sld [smem:$0x3F9E];
	_ =	swait.ge [sflag:s4], $0x0  }
0x19: {  	s7 =	sld [smem:$0x3F9F]  }
0x1a: {  	s8 =	sadd.s32 $0xFFFFE003, lr  }
0x1b: {  	s9 =	sadd.s32 $0xFFFFFEF7, lr;
	s5 =	simm.s32 $0xFFFFFFFF;
	p2 =	slt.u32 s8, $0xFFFFF086  }
0x1c: {  	p1 =	slt.u32 s9, $0xF7A;
	s5 =	simm.s32 @!p2 $0x0  }
0x1d: {  	s5 =	simm.s32 @p1 $0x1;
	p0 =	seq.s32 s7, s2  }
0x1e: {  	s7 =	smul.u32 @!p0 $0xF7A, s2;
	p2 =	seq.s32 @!p0 s5, $0x0  }
0x1f: {  	s9 =	smul.u32 $0xF7A, s1;
	s8 =	simm.s32 @!p0 $0x1BF5;
	p2 =	por !p2, p0  }
0x20: {  	[sflag:s8] =	ssyncset.s32 @!p0 $0xFFFFF086;
	s6 =	sadd.s32 @!p0 s3, s7;
	s7 =	simm.s32 @!p0 $0x108  }
0x21: {  	s3 =	sadd.s32 s3, s9;
	s6 =	sadd.s32 @!p0 $0x88, s6;
	s7 =	simm.s32 @p2 $0x1082  }
0x22: {  	[simem:s7], [sflag:s8] =	dma.local @!p0 [hbm:s6], $0xF7A  }
0x23: {  	s9 =	sor.u32 $0xD0000000, s2;
	s6 =	simm.s32 $0x108;
	_ =	swait.ge @!p0 [sflag:s8], $0x0  }
0x24: {  	s3 =	sadd.s32 $0x88, s3;
	s6 =	simm.s32 @!p1 $0x1082;
	[sflag:s4] =	ssyncset.s32 $0xFFFFF086  }
0x25: {  	[simem:s6], [sflag:s4] =	dma.local [hbm:s3], $0xF7A  }
0x26: {  	[smem:$0x3F9F] =	sst s1;
	(tag) =	ssettag s2;
	_ =	strace s9  }
0x27: {  	s1 =	sld [smem:$0x3FAF]  }
0x28: {  	s2 =	sld [smem:$0x3FB0]  }
0x29: {  	s4 =	sld [smem:$0x3FB2]  }
0x2a: {  	p0 =	seq.s32 s5, $0x0;
	s5 =	sld [smem:$0x3FB3]  }
0x2b: {  	s6 =	sld [smem:$0x3FB4]  }
0x2c: {  	s7 =	sld [smem:$0x3FB5]  }
0x2d: {  	s3 =	simm.s32 $0x108;
	s8 =	sld [smem:$0x3FB6]  }
0x2e: {  	s3 =	simm.s32 @!p0 $0x1082;
	s9 =	sld [smem:$0x3FB7]  }
0x2f: {  	lr =	sadd.s32 s0, s3;
	s0 =	sld [smem:$0x3FAE]  }
0x30: {  	s3 =	sld [smem:$0x3FB1]  }
0x31: {  	[smem:$0x3FBA] =	sst s10  }
0x32: {  	s10 =	sld [smem:$0x3FB8];
	_ =	sdelay $0x3  }
0x33: {  	p0 =	seq.s32 s10, $0x1;
	s10 =	sld [smem:$0x3FBA];
	_ =	sdelay $0x3  }
0x34: {  	[smem:$0x3FBA] =	sst s10  }
0x35: {  	s10 =	sld [smem:$0x3FB9];
	_ =	sdelay $0x3  }
0x36: {  	p1 =	seq.s32 s10, $0x1;
	s10 =	sld [smem:$0x3FBA];
	_ =	sdelay $0x3  }
0x37: {  	[smem:$0x3FBA] =	sst s10  }
0x38: {  	s10 =	sld [smem:$0x3FBB]  }
0x39: {  	_ = 	snop;
	(pc) =	sbr.ind lr, $3  }
0x3a: {  	_ = 	snop  }
0x3b: {  	_ = 	snop  }
0x3c: {  	p2 =	seq.s32 s10, $0x1;
	s10 =	sld [smem:$0x3FBA]  }
0x3d: {  	_ =	shalt  }
0x3e: {  	_ =	shalt  }
0x3f: {  	_ =	shalt  }
0x40: {  	_ =	shalt  }
0x41: {  	_ =	shalt  }
0x42: {  	_ =	shalt  }
0x43: {  	_ =	shalt  }
0x44: {  	_ =	shalt  }
0x45: {  	_ =	shalt  }
0x46: {  	_ =	shalt  }
0x47: {  	_ =	shalt  }
0x48: {  	_ =	shalt  }
0x49: {  	_ =	shalt  }
0x4a: {  	_ =	shalt  }
0x4b: {  	_ =	shalt  }
0x4c: {  	_ =	shalt  }
0x4d: {  	_ =	shalt  }
0x4e: {  	_ =	shalt  }
0x4f: {  	_ =	shalt  }
0x50: {  	_ =	shalt  }
0x51: {  	_ =	shalt  }
0x52: {  	_ =	shalt  }
0x53: {  	_ =	shalt  }
0x54: {  	_ =	shalt  }
0x55: {  	_ =	shalt  }
0x56: {  	_ =	shalt  }
0x57: {  	_ =	shalt  }
0x58: {  	_ =	shalt  }
0x59: {  	_ =	shalt  }
0x5a: {  	_ =	shalt  }
0x5b: {  	_ =	shalt  }
0x5c: {  	_ =	shalt  }
0x5d: {  	_ =	shalt  }
0x5e: {  	_ =	shalt  }
0x5f: {  	_ =	shalt  }
0x60: {  	_ =	shalt  }
0x61: {  	_ =	shalt  }
0x62: {  	_ =	shalt  }
0x63: {  	_ =	shalt  }
0x64: {  	_ =	shalt  }
0x65: {  	_ =	shalt  }
0x66: {  	_ =	shalt  }
0x67: {  	_ =	shalt  }
0x68: {  	_ =	shalt  }
0x69: {  	_ =	shalt  }
0x6a: {  	_ =	shalt  }
0x6b: {  	_ =	shalt  }
0x6c: {  	_ =	shalt  }
0x6d: {  	_ =	shalt  }
0x6e: {  	_ =	shalt  }
0x6f: {  	_ =	shalt  }
0x70: {  	_ =	shalt  }
0x71: {  	_ =	shalt  }
0x72: {  	_ =	shalt  }
0x73: {  	_ =	shalt  }
0x74: {  	_ =	shalt  }
0x75: {  	_ =	shalt  }
0x76: {  	_ =	shalt  }
0x77: {  	_ =	shalt  }
0x78: {  	_ =	shalt  }
0x79: {  	_ =	shalt  }
0x7a: {  	_ =	shalt  }
0x7b: {  	_ =	shalt  }
0x7c: {  	_ =	shalt  }
0x7d: {  	_ =	shalt  }
0x7e: {  	_ =	shalt  }
0x7f: {  	_ =	shalt  }
0x80: {  	_ =	shalt  }
0x81: {  	_ =	shalt  }
0x82: {  	_ =	shalt  }
0x83: {  	_ =	shalt  }
0x84: {  	_ =	shalt  }
0x85: {  	_ =	shalt  }
0x86: {  	_ =	shalt  }
0x87: {  	_ =	shalt  }
.Lfunc_end0:
.L_simem_size_0:
called_computation_lowered:
.L_overlay_start_0:
0x88: {  	s2 =	sld [smem:$0x3FD9]  }
0x89: {  	s3 =	sld [smem:$0x3FFE];
	_ =	sdelay $0x1  }
0x8a: {  	s1 =	srdreg.scid  }
0x8b: {  	s0 =	sand.u32 $0x1, s1  }
0x8c: {  	s15 =	sshll.u32 s0, $0xA;
	s2 =	sadd.s32 s3, s2  }
0x8d: {  	s2 =	sadd.s32 s2, s15  }
0x8e: {  	[smem:$0x3FC6] =	sst s2  }
0x8f: {  	_ = 	snop  }
0x90: {  	s2 =	sld [smem:$0x3FD0];
	_ =	sdelay $0x1  }
0x91: {  	s16 =	sld [smem:$0x3FC9]  }
0x92: {  	s5 =	simm.s32 $0xA;
	s6 =	simm.s32 $0x10;
	s4 =	sld [smem:$0x3FC8]  }
0x93: {  	[smem:s6], [sflag:s5] =	dma.local [hbm:s2], $0x1  }
0x94: {  	_ =	swait.eq [sflag:s5], $0x1  }
0x95: {  	[sflag:s5] =	ssyncset.done $0x0  }
0x96: {  	[sflag:s5] =	ssyncadd.s32 $0xFFFFFFFF  }
0x97: {  	s17 =	sld [smem:$0x10];
	(tm) =	ssettm $0x1  }
0x98: {  	s18 =	sld [smem:$0x3FFB];
	_ =	sdelay $0x3  }
0x99: {  	_ =	strace s18  }
0x9a: {  	s5 =	sld [smem:$0x3FFC];
	_ =	sdelay $0x3  }
0x9b: {  	_ =	strace s5  }
0x9c: {  	s5 =	sld [smem:$0x3FFD];
	_ =	sdelay $0x3  }
0x9d: {  	_ =	strace s5  }
0x9e: {  	_ =	strace $0x8FFFFFFF  }
0x9f: {  	s19 =	sld [smem:$0x3FDB];
	_ =	sdelay $0x1  }
0xa0: {  	s20 =	simm.s32 $_scs_section_size  }
0xa1: {  	s7 =	simm.s32 $_size__tile_overlayer_lowered;
	s8 =	simm.s32 $_tile_overlayer_lowered  }
0xa2: {  	s23 =	simm.s32 $0x1BFF;
	s22 =	sshll.u32 s8, $0x1;
	s5 =	sadd.s32 s20, s19  }
0xa3: {  	s9 =	simm.s32 $0x0;
	s21 =	sshll.u32 s7, $0x1;
	s7 =	sadd.s32 s22, s5  }
0xa4: {  	[timem:s9], [sflag:s23] =	dma.local [hbm:s7], s21  }
0xa5: {  	_ =	swait.ge [sflag:s23], s21  }
0xa6: {  	s6 =	ssub.s32 $0x0, s21;
	[sflag:s23] =	ssyncset.done $0x0  }
0xa7: {  	[sflag:s23] =	ssyncadd.s32 s6;
	_ =	sdelay $0x1  }
0xa8: {  	s24 =	simm.s32 $0x1B8B  }
0xa9: {  	_ =	swait.ge [sflag:s24], $0x1  }
0xaa: {  	[sflag:s24] =	ssyncset.done $0x0  }
0xab: {  	s25 =	simm.s32 $0x1B8E;
	[sflag:s24] =	ssyncadd.s32 $0xFFFFFFFF  }
0xac: {  	s26 =	simm.s32 $execute0_lowered;
	[smem:$0x3FD2] =	sst s25  }
0xad: {  	s6 =	sshll.u32 s26, $0x1;
	_ =	strace $0x80000046;
	[dreg:$0x1] =	wrdreg $0xFFFFFFFF  }
0xae: {  	s28 =	simm.s32 $_size_execute0_lowered;
	s5 =	sadd.s32 s5, s6;
	[dreg:$0x0] =	wrdreg $0x0  }
0xaf: {  	s6 =	sshll.u32 s28, $0x1;
	[dreg:$0x2] =	wrdreg s5  }
0xb0: {  	[dreg:$0x3] =	wrdreg s6  }
0xb1: {  	[dreg:$0x4] =	wrdreg $0xC0  }
0xb2: {  	_ =	task [dreg:s9], $0x5FFFF  }
0xb3: {  	[dreg:$0x1] =	wrdreg $0xFFFFFFFF  }
0xb4: {  	[dreg:$0x0] =	wrdreg $0x60  }
0xb5: {  	[dreg:$0x2] =	wrdreg s16  }
0xb6: {  	[dreg:$0x3] =	wrdreg s4  }
0xb7: {  	[dreg:$0x4] =	wrdreg s17  }
0xb8: {  	[dreg:$0x5] =	wrdreg $0x9  }
0xb9: {  	_ =	task.clear_ibuf [dreg:s9], $0x6FFFF;
	_ =	strace $0x90000046  }
0xba: {  	s29 =	simm.s32 $0x9;
	_ =	strace $0x80000048  }
0xbb: {  	_ =	swait.ge [sflag:s29], $0x1  }
0xbc: {  	[sflag:s29] =	ssyncadd.s32 $0xFFFFFFFF  }
0xbd: {  	_ =	strace $0x90000048  }
0xbe: {  	_ =	sfence  }
0xbf: {  	s30 =	sld [smem:$0x0];
	_ =	sdelay $0x2  }
0xc0: {  	s31 =	sshll.u32 s1, $0xD;
	s1 =	sshrl.u32 s1, $0x2  }
0xc1: {  	s3 =	sand.u32 $0x4000, s31;
	s1 =	sadd.s32 s1, s30  }
0xc2: {  	s0 =	sor.u32 s3, s0;
	s1 =	sshll.u32 s1, $0x11  }
0xc3: {  	s0 =	sor.u32 s1, s0  }
0xc4: {  	s0 =	sadd.s32 $0x8F2B, s0  }
0xc5: {  	[sflag:s0] =	ssyncadd.remote.s32 $0x1  }
0xc6: {  	_ =	sfence.sel $0xFFFF  }
0xc7: {  	[dreg:$0x0] =	wrdreg $0xFFFFFFFF;
	(pc) =	sbr.abs _section_cstart, $3  }
0xc8: {  	[dreg:$0x1] =	wrdreg $0xFFFFFFFF  }
0xc9: {  	_ =	task.clear_ibuf [dreg:s9], $0x2FFFF;
	_ =	strace $0x9FFFFFFF  }
0xca: {  	(tm) =	ssettm $0x7FFFFFFF  }
0xcb: {  	_ =	shalt  }
tec
execute0_lowered:
.L_overlay_start_1:
0x0: {  	(tag) =	ssettag $0x1  }
0x1: {  	s0 =	stileid.u32  }
0x2: {  	s1 =	srdreg.scid;
	s2 =	sshll.u32 s0, $0x1  }
0x3: {  	s31 =	sand.u32 $0x1, s1;
	s25 =	sand.u32 $0x6, s2  }
0x4: {  	s14 =	sshrl.u32 s0, $0x2;
	s15 =	sor.u32 s31, s25  }
0x5: {  	s7 =	rddreg [dreg:$0x0];
	s5 =	sshll.u32 s14, $0x7;
	s4 =	sshll.u32 s15, $0xC  }
0x6: {  	s23 =	rddreg [dreg:$0x2];
	s3 =	simm.s32 $0x0;
	s4 =	sor.u32 s5, s4  }
0x7: {  	[smem:$0x7FF] =	sst s3;
	s4 =	sshrl.u32 s4, $0x3  }
0x8: {  	s2 =	rddreg [dreg:$0x1];
	s26 =	sshll.u32 s15, $0xA;
	s4 =	sadd.s32 s7, s4  }
0x9: {  	_ =	strace $0x80000047;
	s22 =	sor.u32 $0x80, s26;
	[dreg:$0x4] =	wrdreg s4  }
0xa: {  	s8 =	sshll.u32 s22, $0x2;
	s4 =	simm.s32 $0x3;
	s6 =	rddreg [dreg:$0x4]  }
0xb: {  	[tilespmem:s3], [sflag:$0x3] =	stream.linear.gather [hbm4b:s6+s3], $0x80, $0x38;
	[tilespmem:$0x1C400] =	vst v63  }
0xc: {  	s5 =	sor.u32 s5, s8;
	_ =	swait.ge [sflag:s4], $0x80  }
0xd: {  	s8 =	sshrl.u32 s5, $0x3;
	[sflag:s4] =	ssyncset.done $0x0  }
0xe: {  	s5 =	simm.s32 $0x80;
	s6 =	simm.s32 $0x400;
	[sflag:s4] =	ssyncadd.s32 $0xFFFFFF80  }
0xf: {  	[tilespmem:s6], [sflag:$0x1] =	stream.indirect.gather [hbm4b:s2+s5], $0x80, s3, s5, $0xb8;
	[tilespmem:$0x1C400] =	vst v63  }
0x10: {  	s7 =	sadd.s32 s7, s8;
	s8 =	simm.s32 $0x200  }
0x11: {  	[tilespmem:s5], [sflag:$0x3] =	stream.strided.gather [hbm4b:s7+s5], $0x380, s8, s5, $0x38;
	[tilespmem:$0x1C400] =	vst v63  }
0x12: {  	_ =	swait.ge [sflag:s4], $0x380  }
0x13: {  	[sflag:s4] =	ssyncset.done $0x0  }
0x14: {  	s9 =	simm.s32 $0x4400;
	[sflag:s4] =	ssyncadd.s32 $0xFFFFFC80  }
0x15: {  	[tilespmem:s9], [sflag:$0x1] =	stream.indirect.gather [hbm4b:s2+s5], $0x80, s5, s5, $0xb8;
	[tilespmem:$0x1C400] =	vst v63  }
0x16: {  	s10 =	simm.s32 $0x100;
	s11 =	simm.s32 $0x8400  }
0x17: {  	[tilespmem:s11], [sflag:$0x1] =	stream.indirect.gather [hbm4b:s2+s5], $0x80, s10, s5, $0xb8;
	[tilespmem:$0x1C400] =	vst v63  }
0x18: {  	s12 =	simm.s32 $0x180;
	s13 =	simm.s32 $0xC400  }
0x19: {  	[tilespmem:s13], [sflag:$0x1] =	stream.indirect.gather [hbm4b:s2+s5], $0x80, s12, s5, $0xb8;
	[tilespmem:$0x1C400] =	vst v63  }
0x1a: {  	s24 =	sshll.u32 s14, $0x14;
	s14 =	simm.s32 $0x10400  }
0x1b: {  	[tilespmem:s14], [sflag:$0x1] =	stream.indirect.gather [hbm4b:s2+s5], $0x80, s8, s5, $0xb8;
	[tilespmem:$0x1C400] =	vst v63  }
0x1c: {  	s16 =	simm.s32 $0x14400;
	s20 =	sshll.u32 s15, $0x11;
	s15 =	simm.s32 $0x280  }
0x1d: {  	[tilespmem:s16], [sflag:$0x1] =	stream.indirect.gather [hbm4b:s2+s5], $0x80, s15, s5, $0xb8;
	[tilespmem:$0x1C400] =	vst v63  }
0x1e: {  	s17 =	simm.s32 $0x300;
	s18 =	simm.s32 $0x18400;
	s19 =	simm.s32 $0x1  }
0x1f: {  	[tilespmem:s18], [sflag:$0x1] =	stream.indirect.gather [hbm4b:s2+s5], $0x80, s17, s5, $0xb8;
	[tilespmem:$0x1C400] =	vst v63  }
0x20: {  	s20 =	sor.u32 s24, s20;
	_ =	swait.ge [sflag:s19], $0x4000  }
0x21: {  	s20 =	sshrl.u32 s20, $0x3;
	[sflag:s19] =	ssyncset.done $0x0  }
0x22: {  	s21 =	sadd.s32 s23, s20;
	s20 =	simm.s32 $0x2;
	[sflag:s19] =	ssyncadd.s32 $0xFFFFC000  }
0x23: {  	[hbm4b:s21+s3] =	stream.linear.scatter [tilespmem:s6], [sflag:$0x2], $0x4000, $0x38;
	[tilespmem:$0x1C400] =	vst v63  }
0x24: {  	_ =	swait.ge [sflag:s20], $0x4000  }
0x25: {  	[sflag:s20] =	ssyncset.done $0x0  }
0x26: {  	s25 =	sshll.u32 s22, $0x7;
	s22 =	simm.s32 $0x380;
	[sflag:s20] =	ssyncadd.s32 $0xFFFFC000  }
0x27: {  	[tilespmem:s6], [sflag:$0x1] =	stream.indirect.gather [hbm4b:s2+s5], $0x80, s22, s5, $0xb8;
	[tilespmem:$0x1C400] =	vst v63  }
0x28: {  	s24 =	sor.u32 s24, s25;
	_ =	swait.ge [sflag:s19], $0x4000  }
0x29: {  	s24 =	sshrl.u32 s24, $0x3;
	[sflag:s19] =	ssyncset.done $0x0  }
0x2a: {  	s23 =	sadd.s32 s23, s24;
	[sflag:s19] =	ssyncadd.s32 $0xFFFFC000  }
0x2b: {  	[hbm4b:s23+s3] =	stream.linear.scatter [tilespmem:s9], [sflag:$0x2], $0x4000, $0x38;
	[tilespmem:$0x1C400] =	vst v63  }
0x2c: {  	_ =	swait.ge [sflag:s19], $0x4000  }
0x2d: {  	[sflag:s19] =	ssyncset.done $0x0  }
0x2e: {  	s24 =	sadd.s32 $0x1000, s21;
	[sflag:s19] =	ssyncadd.s32 $0xFFFFC000  }
0x2f: {  	[hbm4b:s24+s3] =	stream.linear.scatter [tilespmem:s11], [sflag:$0x2], $0x4000, $0x38;
	[tilespmem:$0x1C400] =	vst v63  }
0x30: {  	_ =	swait.ge [sflag:s19], $0x4000  }
0x31: {  	[sflag:s19] =	ssyncset.done $0x0  }
0x32: {  	s25 =	sadd.s32 $0x1800, s21;
	[sflag:s19] =	ssyncadd.s32 $0xFFFFC000  }
0x33: {  	[hbm4b:s25+s3] =	stream.linear.scatter [tilespmem:s13], [sflag:$0x2], $0x4000, $0x38;
	[tilespmem:$0x1C400] =	vst v63  }
0x34: {  	_ =	swait.ge [sflag:s19], $0x4000  }
0x35: {  	[sflag:s19] =	ssyncset.done $0x0  }
0x36: {  	s26 =	sadd.s32 $0x2000, s21;
	[sflag:s19] =	ssyncadd.s32 $0xFFFFC000  }
0x37: {  	[hbm4b:s26+s3] =	stream.linear.scatter [tilespmem:s14], [sflag:$0x2], $0x4000, $0x38;
	[tilespmem:$0x1C400] =	vst v63  }
0x38: {  	_ =	swait.ge [sflag:s19], $0x4000  }
0x39: {  	[sflag:s19] =	ssyncset.done $0x0  }
0x3a: {  	s28 =	sadd.s32 $0x2800, s21;
	[sflag:s19] =	ssyncadd.s32 $0xFFFFC000  }
0x3b: {  	[hbm4b:s28+s3] =	stream.linear.scatter [tilespmem:s16], [sflag:$0x2], $0x4000, $0x38;
	[tilespmem:$0x1C400] =	vst v63  }
0x3c: {  	_ =	swait.ge [sflag:s19], $0x4000  }
0x3d: {  	[sflag:s19] =	ssyncset.done $0x0  }
0x3e: {  	s29 =	sadd.s32 $0x3000, s21;
	[sflag:s19] =	ssyncadd.s32 $0xFFFFC000  }
0x3f: {  	[hbm4b:s29+s3] =	stream.linear.scatter [tilespmem:s18], [sflag:$0x2], $0x4000, $0x38;
	[tilespmem:$0x1C400] =	vst v63  }
0x40: {  	_ =	swait.ge [sflag:s19], $0x4000  }
0x41: {  	[sflag:s19] =	ssyncset.done $0x0  }
0x42: {  	s30 =	sadd.s32 $0x3800, s21;
	[sflag:s19] =	ssyncadd.s32 $0xFFFFC000  }
0x43: {  	[hbm4b:s30+s3] =	stream.linear.scatter [tilespmem:s6], [sflag:$0x2], $0x4000, $0x38;
	[tilespmem:$0x1C400] =	vst v63  }
0x44: {  	_ =	swait.ge [sflag:s20], $0x4000  }
0x45: {  	[sflag:s20] =	ssyncset.done $0x0  }
0x46: {  	[sflag:s20] =	ssyncadd.s32 $0xFFFFC000  }
0x47: {  	_ =	swait.ge [sflag:s20], $0x4000  }
0x48: {  	[sflag:s20] =	ssyncset.done $0x0  }
0x49: {  	[sflag:s20] =	ssyncadd.s32 $0xFFFFC000  }
0x4a: {  	_ =	swait.ge [sflag:s20], $0x4000  }
0x4b: {  	[sflag:s20] =	ssyncset.done $0x0  }
0x4c: {  	[sflag:s20] =	ssyncadd.s32 $0xFFFFC000  }
0x4d: {  	s31 =	ssub.s32 $0x2, s31;
	_ =	swait.ge [sflag:s20], $0x4000  }
0x4e: {  	s1 =	sshrl.u32 s31, $0x1;
	[sflag:s20] =	ssyncset.done $0x0  }
0x4f: {  	s1 =	ssub.s32 s31, s1;
	[sflag:s20] =	ssyncadd.s32 $0xFFFFC000  }
0x50: {  	s1 =	smax.u32 s1, $0x1;
	_ =	swait.ge [sflag:s20], $0x4000  }
0x51: {  	p0 =	sne.s32 s1, $0x1;
	[sflag:s20] =	ssyncset.done $0x0  }
.Ltmp0:
0x52: {  	[sflag:s20] =	ssyncadd.s32 $0xFFFFC000;
	(pc) =	sbr.rel @!p0 .LBB2_2-.Ltmp0, $4  }
0x53: {  	_ =	swait.ge [sflag:s20], $0x4000  }
0x54: {  	[sflag:s20] =	ssyncset.done $0x0  }
0x55: {  	[sflag:s20] =	ssyncadd.s32 $0xFFFFC000  }
0x56: {  	s31 =	sadd.s32 $0xFFFFFFFF, s1;
	_ =	swait.ge [sflag:s20], $0x4000  }
.LBB2_1:
0x57: {  	[sflag:s20] =	ssyncset.done $0x0  }
0x58: {  	s1 =	rddreg [dreg:$0x4];
	[sflag:s20] =	ssyncadd.s32 $0xFFFFC000  }
0x59: {  	[tilespmem:s3], [sflag:$0x3] =	stream.linear.gather [hbm4b:s1+s3], $0x80, $0x38;
	[tilespmem:$0x1C400] =	vst v63  }
0x5a: {  	_ =	swait.ge [sflag:s4], $0x80  }
0x5b: {  	[sflag:s4] =	ssyncset.done $0x0  }
0x5c: {  	[sflag:s4] =	ssyncadd.s32 $0xFFFFFF80  }
0x5d: {  	[tilespmem:s6], [sflag:$0x1] =	stream.indirect.gather [hbm4b:s2+s5], $0x80, s3, s5, $0xb8;
	[tilespmem:$0x1C400] =	vst v63  }
0x5e: {  	_ = 	snop  }
0x5f: {  	[tilespmem:s5], [sflag:$0x3] =	stream.strided.gather [hbm4b:s7+s5], $0x380, s8, s5, $0x38;
	[tilespmem:$0x1C400] =	vst v63  }
0x60: {  	_ =	swait.ge [sflag:s4], $0x380  }
0x61: {  	[sflag:s4] =	ssyncset.done $0x0  }
0x62: {  	[sflag:s4] =	ssyncadd.s32 $0xFFFFFC80  }
0x63: {  	[tilespmem:s9], [sflag:$0x1] =	stream.indirect.gather [hbm4b:s2+s5], $0x80, s5, s5, $0xb8;
	[tilespmem:$0x1C400] =	vst v63  }
0x64: {  	_ = 	snop  }
0x65: {  	[tilespmem:s11], [sflag:$0x1] =	stream.indirect.gather [hbm4b:s2+s5], $0x80, s10, s5, $0xb8;
	[tilespmem:$0x1C400] =	vst v63  }
0x66: {  	_ = 	snop  }
0x67: {  	[tilespmem:s13], [sflag:$0x1] =	stream.indirect.gather [hbm4b:s2+s5], $0x80, s12, s5, $0xb8;
	[tilespmem:$0x1C400] =	vst v63  }
0x68: {  	_ = 	snop  }
0x69: {  	[tilespmem:s14], [sflag:$0x1] =	stream.indirect.gather [hbm4b:s2+s5], $0x80, s8, s5, $0xb8;
	[tilespmem:$0x1C400] =	vst v63  }
0x6a: {  	_ = 	snop  }
0x6b: {  	[tilespmem:s16], [sflag:$0x1] =	stream.indirect.gather [hbm4b:s2+s5], $0x80, s15, s5, $0xb8;
	[tilespmem:$0x1C400] =	vst v63  }
0x6c: {  	_ = 	snop  }
0x6d: {  	[tilespmem:s18], [sflag:$0x1] =	stream.indirect.gather [hbm4b:s2+s5], $0x80, s17, s5, $0xb8;
	[tilespmem:$0x1C400] =	vst v63  }
0x6e: {  	_ =	swait.ge [sflag:s19], $0x4000  }
0x6f: {  	[sflag:s19] =	ssyncset.done $0x0  }
0x70: {  	[sflag:s19] =	ssyncadd.s32 $0xFFFFC000  }
0x71: {  	[hbm4b:s21+s3] =	stream.linear.scatter [tilespmem:s6], [sflag:$0x2], $0x4000, $0x38;
	[tilespmem:$0x1C400] =	vst v63  }
0x72: {  	_ =	swait.ge [sflag:s20], $0x4000  }
0x73: {  	[sflag:s20] =	ssyncset.done $0x0  }
0x74: {  	[sflag:s20] =	ssyncadd.s32 $0xFFFFC000  }
0x75: {  	[tilespmem:s6], [sflag:$0x1] =	stream.indirect.gather [hbm4b:s2+s5], $0x80, s22, s5, $0xb8;
	[tilespmem:$0x1C400] =	vst v63  }
0x76: {  	_ =	swait.ge [sflag:s19], $0x4000  }
0x77: {  	[sflag:s19] =	ssyncset.done $0x0  }
0x78: {  	[sflag:s19] =	ssyncadd.s32 $0xFFFFC000  }
0x79: {  	[hbm4b:s23+s3] =	stream.linear.scatter [tilespmem:s9], [sflag:$0x2], $0x4000, $0x38;
	[tilespmem:$0x1C400] =	vst v63  }
0x7a: {  	_ =	swait.ge [sflag:s19], $0x4000  }
0x7b: {  	[sflag:s19] =	ssyncset.done $0x0  }
0x7c: {  	[sflag:s19] =	ssyncadd.s32 $0xFFFFC000  }
0x7d: {  	[hbm4b:s24+s3] =	stream.linear.scatter [tilespmem:s11], [sflag:$0x2], $0x4000, $0x38;
	[tilespmem:$0x1C400] =	vst v63  }
0x7e: {  	_ =	swait.ge [sflag:s19], $0x4000  }
0x7f: {  	[sflag:s19] =	ssyncset.done $0x0  }
0x80: {  	[sflag:s19] =	ssyncadd.s32 $0xFFFFC000  }
0x81: {  	[hbm4b:s25+s3] =	stream.linear.scatter [tilespmem:s13], [sflag:$0x2], $0x4000, $0x38;
	[tilespmem:$0x1C400] =	vst v63  }
0x82: {  	_ =	swait.ge [sflag:s19], $0x4000  }
0x83: {  	[sflag:s19] =	ssyncset.done $0x0  }
0x84: {  	[sflag:s19] =	ssyncadd.s32 $0xFFFFC000  }
0x85: {  	[hbm4b:s26+s3] =	stream.linear.scatter [tilespmem:s14], [sflag:$0x2], $0x4000, $0x38;
	[tilespmem:$0x1C400] =	vst v63  }
0x86: {  	_ =	swait.ge [sflag:s19], $0x4000  }
0x87: {  	[sflag:s19] =	ssyncset.done $0x0  }
0x88: {  	[sflag:s19] =	ssyncadd.s32 $0xFFFFC000  }
0x89: {  	[hbm4b:s28+s3] =	stream.linear.scatter [tilespmem:s16], [sflag:$0x2], $0x4000, $0x38;
	[tilespmem:$0x1C400] =	vst v63  }
0x8a: {  	_ =	swait.ge [sflag:s19], $0x4000  }
0x8b: {  	[sflag:s19] =	ssyncset.done $0x0  }
0x8c: {  	[sflag:s19] =	ssyncadd.s32 $0xFFFFC000  }
0x8d: {  	[hbm4b:s29+s3] =	stream.linear.scatter [tilespmem:s18], [sflag:$0x2], $0x4000, $0x38;
	[tilespmem:$0x1C400] =	vst v63  }
0x8e: {  	_ =	swait.ge [sflag:s19], $0x4000  }
0x8f: {  	[sflag:s19] =	ssyncset.done $0x0  }
0x90: {  	[sflag:s19] =	ssyncadd.s32 $0xFFFFC000  }
0x91: {  	[hbm4b:s30+s3] =	stream.linear.scatter [tilespmem:s6], [sflag:$0x2], $0x4000, $0x38;
	[tilespmem:$0x1C400] =	vst v63  }
0x92: {  	_ =	swait.ge [sflag:s20], $0x4000  }
0x93: {  	[sflag:s20] =	ssyncset.done $0x0  }
0x94: {  	[sflag:s20] =	ssyncadd.s32 $0xFFFFC000  }
0x95: {  	_ =	swait.ge [sflag:s20], $0x4000  }
0x96: {  	[sflag:s20] =	ssyncset.done $0x0  }
0x97: {  	[sflag:s20] =	ssyncadd.s32 $0xFFFFC000  }
0x98: {  	_ =	swait.ge [sflag:s20], $0x4000  }
0x99: {  	[sflag:s20] =	ssyncset.done $0x0  }
0x9a: {  	[sflag:s20] =	ssyncadd.s32 $0xFFFFC000  }
0x9b: {  	_ =	swait.ge [sflag:s20], $0x4000  }
0x9c: {  	[sflag:s20] =	ssyncset.done $0x0  }
0x9d: {  	[sflag:s20] =	ssyncadd.s32 $0xFFFFC000  }
0x9e: {  	_ =	swait.ge [sflag:s20], $0x4000  }
0x9f: {  	p0 =	sne.s32 s31, $0x1;
	[sflag:s20] =	ssyncset.done $0x0  }
.Ltmp1:
0xa0: {  	[sflag:s20] =	ssyncadd.s32 $0xFFFFC000;
	(pc) =	sbr.rel @p0 .LBB2_1-.Ltmp1, $4  }
0xa1: {  	_ =	swait.ge [sflag:s20], $0x4000  }
0xa2: {  	[sflag:s20] =	ssyncset.done $0x0  }
0xa3: {  	[sflag:s20] =	ssyncadd.s32 $0xFFFFC000  }
0xa4: {  	s31 =	sadd.s32 $0xFFFFFFFF, s31;
	_ =	swait.ge [sflag:s20], $0x4000  }
.LBB2_2:
0xa5: {  	[sflag:s20] =	ssyncset.done $0x0  }
0xa6: {  	[sflag:s20] =	ssyncadd.s32 $0xFFFFC000  }
0xa7: {  	_ =	sfence.sel $0x180000  }
0xa8: {  	[bflag:$0x0] =	sbarrier.arrive $0xFFFF  }
0xa9: {  	_ =	strace $0x90000047  }
0xaa: {  	[bflag:$0x2] =	sbarrier.arrive $0xFFFF  }
0xab: {  	p0 =	sne.s32 s0, $0x0;
	s0 =	rddreg [dreg:$0x3]  }
0xac: {  	s0 =	sadd.s32 @!p0 $0x100000, s0  }
0xad: {  	[sflag:s0] =	ssyncadd.tile.s32 @!p0 $0x1;
	_ =	shalt  }
.Lfunc_end2:
_tile_overlayer_lowered:
.L_overlay_start_2:
0xae: {  	(tag) =	ssettag $0x2  }
0xaf: {  	s0 =	rddreg [dreg:$0x0];
	s2 =	stileid.u32  }
0xb0: {  	s1 =	rddreg [dreg:$0x1];
	p0 =	sne.s32 s2, $0x0  }
0xb1: {  	s3 =	rddreg [dreg:$0x2];
	[bflag:$0x3] =	sbarrier.arrive $0xFFFF;
	s2 =	simm.s32 @!p0 $0x1C03  }
0xb2: {  	[timem:s3], [sflag:s2] =	dma.local @!p0 [hbm:s0], s1  }
0xb3: {  	s0 =	simm.s32 @!p0 $0x3  }
0xb4: {  	_ =	swait.ge @!p0 [sflag:s0], s1  }
0xb5: {  	s1 =	ssub.s32 @!p0 $0x0, s1;
	[sflag:s0] =	ssyncset.done @!p0 $0x0  }
0xb6: {  	[sflag:s0] =	ssyncadd.s32 @!p0 s1  }
0xb7: {  	[bflag:$0x3] =	sbarrier.arrive $0xFFFF  }
0xb8: {  	_ =	shalt  }

</sc_bundles>
